<compile_context>
chip_gen: v7x
topology: tpu7x:2x2x1
jax: 0.10.2.dev20260603
libtpu: 0.0.44.dev20260713+nightly
codegen_flags: <defaults>
</compile_context>

<pallas_src>
import functools

import jax
import jax.numpy as jnp
from jax import lax
from jax.experimental import pallas as pl
from jax.experimental.pallas import tpu as pltpu, tpu_sc as plsc

N = 10000
E = 320000
D = 128
DG = 16
NC = 2
NS = 16
NW = NC * NS
CH = 128
NCH = 79
EPW = NCH * CH
NPAD = 10240
RPT = NPAD // NS
BLK = 512
GRID = NPAD // BLK


@functools.cache
def _get_mesh():
    return plsc.VectorSubcoreMesh(core_axis_name="c", subcore_axis_name="s",
                                  num_cores=NC, num_subcores=NS)


def _seg_body(h_hbm, srcs_hbm, dsts_hbm, zd_hbm, msg_out,
              src_v, dst_v, rows_v, acc_sh):
    c = lax.axis_index("c")
    s = lax.axis_index("s")
    pltpu.sync_copy(srcs_hbm.at[c, s], src_v)
    pltpu.sync_copy(dsts_hbm.at[c, s], dst_v)
    pltpu.sync_copy(zd_hbm, acc_sh.at[pl.ds(s * RPT, RPT)])
    plsc.subcore_barrier()

    def body(j, carry):
        pltpu.sync_copy(h_hbm.at[src_v.at[j]], rows_v)
        pltpu.sync_copy(rows_v, acc_sh.at[dst_v.at[j]], add=True)
        return carry

    lax.fori_loop(0, NCH, body, 0)
    plsc.subcore_barrier()
    pltpu.sync_copy(acc_sh.at[pl.ds(s * RPT, RPT)],
                    msg_out.at[c, pl.ds(s * RPT, RPT)])


@functools.cache
def _make_seg():
    return pl.kernel(
        _seg_body,
        out_type=jax.ShapeDtypeStruct((NC, NPAD, D), jnp.float32),
        mesh=_get_mesh(),
        scratch_types=[
            pltpu.VMEM((NCH, CH), jnp.int32),
            pltpu.VMEM((NCH, CH), jnp.int32),
            pltpu.VMEM((CH, D), jnp.float32),
            pltpu.VMEM_SHARED((NPAD, D), jnp.float32),
        ])


def _tc0_body(h, m0, m1, g0, g1, ws, wn, bias, out, invb):
    deg = g0[:, 0:1] + g1[:, 0:1]
    inv = 1.0 / jnp.maximum(deg, 1.0)
    invb[...] = jnp.broadcast_to(inv, (BLK, DG))
    msg = (m0[...] + m1[...]) * inv
    r = (jnp.dot(h[...], ws[...], preferred_element_type=jnp.float32)
         + jnp.dot(msg, wn[...], preferred_element_type=jnp.float32)
         + bias[...])
    out[...] = jnp.maximum(r, 0.0)


def _make_tc12(relu):
    def body(h, m0, m1, invb, ws, wn, bias, out):
        msg = (m0[...] + m1[...]) * invb[:, 0:1]
        r = (jnp.dot(h[...], ws[...], preferred_element_type=jnp.float32)
             + jnp.dot(msg, wn[...], preferred_element_type=jnp.float32)
             + bias[...])
        out[...] = jnp.maximum(r, 0.0) if relu else r
    return body


_row_spec = pl.BlockSpec((BLK, D), lambda i: (i, 0))
_deg_spec = pl.BlockSpec((BLK, DG), lambda i: (i, 0))
_w_spec = pl.BlockSpec((D, D), lambda i: (0, 0))
_b_spec = pl.BlockSpec((1, D), lambda i: (0, 0))


def _tc_layer0(h, m0, m1, g0, g1, ws, wn, bias):
    return pl.pallas_call(
        _tc0_body,
        grid=(GRID,),
        in_specs=[_row_spec, _row_spec, _row_spec, _row_spec, _row_spec,
                  _w_spec, _w_spec, _b_spec],
        out_specs=[_row_spec, _deg_spec],
        out_shape=[jax.ShapeDtypeStruct((NPAD, D), jnp.float32),
                   jax.ShapeDtypeStruct((NPAD, DG), jnp.float32)],
    )(h, m0, m1, g0, g1, ws, wn, bias)


def _tc_layer12(h, m0, m1, invb, ws, wn, bias, relu):
    return pl.pallas_call(
        _make_tc12(relu),
        grid=(GRID,),
        in_specs=[_row_spec, _row_spec, _row_spec, _deg_spec,
                  _w_spec, _w_spec, _b_spec],
        out_specs=_row_spec,
        out_shape=jax.ShapeDtypeStruct((NPAD, D), jnp.float32),
    )(h, m0, m1, invb, ws, wn, bias)


def kernel(x, edge_index, W_self_0, W_neigh_0, b_0, W_self_1, W_neigh_1, b_1,
           W_self_2, W_neigh_2, b_2):
    src = edge_index[0].astype(jnp.int32)
    dst = edge_index[1].astype(jnp.int32)
    pad_n = NW * EPW - E
    pad_src = jnp.zeros((pad_n,), jnp.int32)
    pad_dst = (N + jnp.arange(pad_n, dtype=jnp.int32) % (NPAD - N)).astype(jnp.int32)
    srcs = jnp.concatenate([src, pad_src]).reshape(NC, NS, NCH, CH)
    dsts = jnp.concatenate([dst, pad_dst]).reshape(NC, NS, NCH, CH)

    zd = jnp.zeros((RPT, D), jnp.float32)
    ones_tab = jnp.ones((NPAD, D), jnp.float32)

    h = jnp.pad(x, ((0, NPAD - N), (0, 0)))
    bias = [b.reshape(1, D) for b in (b_0, b_1, b_2)]

    degp = _make_seg()(ones_tab, srcs, dsts, zd)
    msg = _make_seg()(h, srcs, dsts, zd)
    h, invb = _tc_layer0(h, msg[0], msg[1], degp[0], degp[1],
                         W_self_0, W_neigh_0, bias[0])

    msg = _make_seg()(h, srcs, dsts, zd)
    h = _tc_layer12(h, msg[0], msg[1], invb, W_self_1, W_neigh_1, bias[1],
                    relu=True)

    msg = _make_seg()(h, srcs, dsts, zd)
    h = _tc_layer12(h, msg[0], msg[1], invb, W_self_2, W_neigh_2, bias[2],
                    relu=False)
    return h[:N]

# --- scband reference (transcript-rebuilt; emitter-appended) ---
"""Pipeline reference for scband-my-graph-sage-26663156973655 (READ-ONLY COPY).

The authoritative reference and input builder live on the scoring server;
editing this copy changes nothing except your own understanding.
"""

import jax, jax.numpy as jnp
import numpy as np

N_NODES = 10000
N_EDGES = 320000
D = 128
NUM_LAYERS = 3


def setup_inputs(seed: int = 0) -> dict:
    key = jax.random.key(seed)
    ks = jax.random.split(key, 2 + 3 * NUM_LAYERS)
    x = jax.random.normal(ks[0], (N_NODES, D), dtype=jnp.float32)
    edge_index = jax.random.randint(ks[1], (2, N_EDGES), 0, N_NODES, dtype=jnp.int32)
    inp = {"x": x, "edge_index": edge_index}
    scale = 1.0 / np.sqrt(D)
    for l in range(NUM_LAYERS):
        inp[f"W_self_{l}"] = jax.random.normal(ks[2 + 3 * l], (D, D), dtype=jnp.float32) * scale
        inp[f"W_neigh_{l}"] = jax.random.normal(ks[3 + 3 * l], (D, D), dtype=jnp.float32) * scale
        inp[f"b_{l}"] = jnp.zeros((D,), dtype=jnp.float32)
    return inp


def _sage_layer(h, src, dst, W_self, W_neigh, b):
    # DGL SAGEConv with aggregator_type='mean'.
    # in_feats == out_feats -> lin_before_mp is False: aggregate first, then fc_neigh.
    ones = jnp.ones((src.shape[0],), dtype=jnp.float32)
    deg = jax.ops.segment_sum(ones, dst, num_segments=N_NODES)
    msg_sum = jax.ops.segment_sum(h[src], dst, num_segments=N_NODES)
    h_neigh = msg_sum / jnp.maximum(deg, 1.0)[:, None]
    h_neigh = h_neigh @ W_neigh
    h_self = h @ W_self
    return h_self + h_neigh + b


def reference(x, edge_index, W_self_0, W_neigh_0, b_0, W_self_1, W_neigh_1, b_1, W_self_2, W_neigh_2, b_2):
    src = edge_index[0]
    dst = edge_index[1]
    params = [(W_self_0, W_neigh_0, b_0), (W_self_1, W_neigh_1, b_1), (W_self_2, W_neigh_2, b_2)]
    h = x
    for l, (Ws, Wn, b) in enumerate(params):
        h = _sage_layer(h, src, dst, Ws, Wn, b)
        if l < NUM_LAYERS - 1:
            h = jax.nn.relu(h)
            # dropout p=0.0, eval mode -> no-op
    return h

if __name__ == "__main__":
    import jax
    _d = setup_inputs()
    print(jax.jit(kernel)(*tuple(_d.values())))

</pallas_src>

<mosaic_0001>
#map = affine_map<(d0, d1) -> (0, 0)>
#map1 = affine_map<(d0, d1) -> (0, 0, 0, 0)>
#map2 = affine_map<(d0, d1) -> (0, 0, 0)>
module attributes {stable_mosaic.version = 14 : i64} {
  func.func @_seg_body(%arg0: i32, %arg1: i32, %arg2: memref<10240x128xf32, #tpu.memory_space<hbm>>, %arg3: memref<2x16x79x128xi32, #tpu.memory_space<hbm>>, %arg4: memref<2x16x79x128xi32, #tpu.memory_space<hbm>>, %arg5: memref<640x128xf32, #tpu.memory_space<hbm>>, %arg6: memref<2x10240x128xf32, #tpu.memory_space<hbm>>, %arg7: memref<79x128xi32, #tpu.memory_space<vmem>>, %arg8: memref<79x128xi32, #tpu.memory_space<vmem>>, %arg9: memref<128x128xf32, #tpu.memory_space<vmem>>, %arg10: memref<10240x128xf32, #tpu.memory_space<vmem_shared>>) attributes {dimension_semantics = [#tpu.dimension_semantics<core_parallel>, #tpu.dimension_semantics<subcore_parallel>], iteration_bounds = array<i64: 2, 16>, scalar_prefetch = 0 : i64, scratch_operands = 4 : i64, tpu.core_type = #tpu.core_type<sc_vector_subcore>, window_params = [{transform_indices = #map}, {transform_indices = #map1}, {transform_indices = #map1}, {transform_indices = #map}, {transform_indices = #map2}]} {
    "tpu.region"() ({
      %run_scoped3A = tpu.sem_alloc : memref<!tpu.dma_semaphore, #tpu.memory_space<semaphore_mem>>
      %dma_start3A = arith.constant 0 : i32
      %dma_start3A_11 = arith.constant 0 : i32
      %dma_start3A_12 = tpu.memref_slice %arg3[%arg0, %arg1, %dma_start3A, %dma_start3A_11] : memref<2x16x79x128xi32, #tpu.memory_space<hbm>> -> memref<1x1x79x128xi32, #tpu.memory_space<hbm>>
      %dma_start3A_13 = tpu.memref_squeeze %dma_start3A_12 : memref<1x1x79x128xi32, #tpu.memory_space<hbm>> -> memref<79x128xi32, #tpu.memory_space<hbm>>
      %dma_start3A_14 = arith.constant 0 : i32
      %dma_start3A_15 = arith.constant 0 : i32
      %dma_start3A_16 = tpu.memref_slice %arg3[%arg0, %arg1, %dma_start3A_14, %dma_start3A_15] : memref<2x16x79x128xi32, #tpu.memory_space<hbm>> -> memref<1x1x79x128xi32, #tpu.memory_space<hbm>>
      %dma_start3A_17 = tpu.memref_squeeze %dma_start3A_16 : memref<1x1x79x128xi32, #tpu.memory_space<hbm>> -> memref<79x128xi32, #tpu.memory_space<hbm>>
      tpu.enqueue_dma source(%dma_start3A_17 : memref<79x128xi32, #tpu.memory_space<hbm>>) target(%arg7 : memref<79x128xi32, #tpu.memory_space<vmem>>) target_semaphore(%run_scoped3A : memref<!tpu.dma_semaphore, #tpu.memory_space<semaphore_mem>>)
      %dma_wait3A = arith.constant 0 : i32
      %dma_wait3A_18 = arith.constant 0 : i32
      %dma_wait3A_19 = tpu.memref_slice %arg3[%arg0, %arg1, %dma_wait3A, %dma_wait3A_18] : memref<2x16x79x128xi32, #tpu.memory_space<hbm>> -> memref<1x1x79x128xi32, #tpu.memory_space<hbm>>
      %dma_wait3A_20 = tpu.memref_squeeze %dma_wait3A_19 : memref<1x1x79x128xi32, #tpu.memory_space<hbm>> -> memref<79x128xi32, #tpu.memory_space<hbm>>
      %dma_wait3A_21 = arith.constant 0 : i32
      %dma_wait3A_22 = arith.constant 0 : i32
      %dma_wait3A_23 = tpu.memref_slice %arg3[%arg0, %arg1, %dma_wait3A_21, %dma_wait3A_22] : memref<2x16x79x128xi32, #tpu.memory_space<hbm>> -> memref<1x1x79x128xi32, #tpu.memory_space<hbm>>
      %dma_wait3A_24 = tpu.memref_squeeze %dma_wait3A_23 : memref<1x1x79x128xi32, #tpu.memory_space<hbm>> -> memref<79x128xi32, #tpu.memory_space<hbm>>
      tpu.wait_dma2 semaphore(%run_scoped3A : memref<!tpu.dma_semaphore, #tpu.memory_space<semaphore_mem>>) src(%dma_wait3A_24 : memref<79x128xi32, #tpu.memory_space<hbm>>) dst(%arg7 : memref<79x128xi32, #tpu.memory_space<vmem>>)
      tpu.yield
    }) : () -> ()
    "tpu.region"() ({
      %run_scoped3A = tpu.sem_alloc : memref<!tpu.dma_semaphore, #tpu.memory_space<semaphore_mem>>
      %dma_start3A = arith.constant 0 : i32
      %dma_start3A_11 = arith.constant 0 : i32
      %dma_start3A_12 = tpu.memref_slice %arg4[%arg0, %arg1, %dma_start3A, %dma_start3A_11] : memref<2x16x79x128xi32, #tpu.memory_space<hbm>> -> memref<1x1x79x128xi32, #tpu.memory_space<hbm>>
      %dma_start3A_13 = tpu.memref_squeeze %dma_start3A_12 : memref<1x1x79x128xi32, #tpu.memory_space<hbm>> -> memref<79x128xi32, #tpu.memory_space<hbm>>
      %dma_start3A_14 = arith.constant 0 : i32
      %dma_start3A_15 = arith.constant 0 : i32
      %dma_start3A_16 = tpu.memref_slice %arg4[%arg0, %arg1, %dma_start3A_14, %dma_start3A_15] : memref<2x16x79x128xi32, #tpu.memory_space<hbm>> -> memref<1x1x79x128xi32, #tpu.memory_space<hbm>>
      %dma_start3A_17 = tpu.memref_squeeze %dma_start3A_16 : memref<1x1x79x128xi32, #tpu.memory_space<hbm>> -> memref<79x128xi32, #tpu.memory_space<hbm>>
      tpu.enqueue_dma source(%dma_start3A_17 : memref<79x128xi32, #tpu.memory_space<hbm>>) target(%arg8 : memref<79x128xi32, #tpu.memory_space<vmem>>) target_semaphore(%run_scoped3A : memref<!tpu.dma_semaphore, #tpu.memory_space<semaphore_mem>>)
      %dma_wait3A = arith.constant 0 : i32
      %dma_wait3A_18 = arith.constant 0 : i32
      %dma_wait3A_19 = tpu.memref_slice %arg4[%arg0, %arg1, %dma_wait3A, %dma_wait3A_18] : memref<2x16x79x128xi32, #tpu.memory_space<hbm>> -> memref<1x1x79x128xi32, #tpu.memory_space<hbm>>
      %dma_wait3A_20 = tpu.memref_squeeze %dma_wait3A_19 : memref<1x1x79x128xi32, #tpu.memory_space<hbm>> -> memref<79x128xi32, #tpu.memory_space<hbm>>
      %dma_wait3A_21 = arith.constant 0 : i32
      %dma_wait3A_22 = arith.constant 0 : i32
      %dma_wait3A_23 = tpu.memref_slice %arg4[%arg0, %arg1, %dma_wait3A_21, %dma_wait3A_22] : memref<2x16x79x128xi32, #tpu.memory_space<hbm>> -> memref<1x1x79x128xi32, #tpu.memory_space<hbm>>
      %dma_wait3A_24 = tpu.memref_squeeze %dma_wait3A_23 : memref<1x1x79x128xi32, #tpu.memory_space<hbm>> -> memref<79x128xi32, #tpu.memory_space<hbm>>
      tpu.wait_dma2 semaphore(%run_scoped3A : memref<!tpu.dma_semaphore, #tpu.memory_space<semaphore_mem>>) src(%dma_wait3A_24 : memref<79x128xi32, #tpu.memory_space<hbm>>) dst(%arg8 : memref<79x128xi32, #tpu.memory_space<vmem>>)
      tpu.yield
    }) : () -> ()
    %mul3A = arith.constant 640 : i32
    %mul3A_0 = arith.muli %arg1, %mul3A : i32
    "tpu.region"() ({
      %run_scoped3A = tpu.sem_alloc : memref<!tpu.dma_semaphore, #tpu.memory_space<semaphore_mem>>
      %dma_start3A = arith.constant 0 : i32
      %dma_start3A_11 = tpu.memref_slice %arg10[%mul3A_0, %dma_start3A] : memref<10240x128xf32, #tpu.memory_space<vmem_shared>> -> memref<640x128xf32, #tpu.memory_space<vmem_shared>>
      tpu.enqueue_dma source(%arg5 : memref<640x128xf32, #tpu.memory_space<hbm>>) target(%dma_start3A_11 : memref<640x128xf32, #tpu.memory_space<vmem_shared>>) target_semaphore(%run_scoped3A : memref<!tpu.dma_semaphore, #tpu.memory_space<semaphore_mem>>)
      %dma_wait3A = arith.constant 0 : i32
      %dma_wait3A_12 = tpu.memref_slice %arg10[%mul3A_0, %dma_wait3A] : memref<10240x128xf32, #tpu.memory_space<vmem_shared>> -> memref<640x128xf32, #tpu.memory_space<vmem_shared>>
      tpu.wait_dma2 semaphore(%run_scoped3A : memref<!tpu.dma_semaphore, #tpu.memory_space<semaphore_mem>>) src(%arg5 : memref<640x128xf32, #tpu.memory_space<hbm>>) dst(%dma_wait3A_12 : memref<640x128xf32, #tpu.memory_space<vmem_shared>>)
      tpu.yield
    }) : () -> ()
    %barrier3A = arith.constant 0 : index
    tpu.barrier barrier_id(%barrier3A)
    %scan3A = arith.constant 0 : i32
    %scan3A_1 = arith.constant 0 : i32
    %scan3A_2 = arith.constant 79 : i32
    %scan3A_3 = arith.addi %scan3A_1, %scan3A_2 : i32
    %scan3A_4 = arith.constant 1 : i32
    scf.for %scan3A_11 = %scan3A_1 to %scan3A_3 step %scan3A_4  : i32 {
      "tpu.region"() ({
        %run_scoped3A = tpu.sem_alloc : memref<!tpu.dma_semaphore, #tpu.memory_space<semaphore_mem>>
        %dma_start3A = arith.constant 0 : i32
        %dma_start3A_12 = tpu.memref_slice %arg7[%scan3A_11, %dma_start3A] : memref<79x128xi32, #tpu.memory_space<vmem>> -> memref<1x128xi32, #tpu.memory_space<vmem>>
        %dma_start3A_13 = tpu.memref_squeeze %dma_start3A_12 : memref<1x128xi32, #tpu.memory_space<vmem>> -> memref<128xi32, #tpu.memory_space<vmem>>
        %dma_start3A_14 = arith.constant 0 : i32
        %dma_start3A_15 = arith.constant 0 : i32
        %dma_start3A_16 = tpu.memref_slice %arg2[%dma_start3A_14, %dma_start3A_15] : memref<10240x128xf32, #tpu.memory_space<hbm>> -> memref<10240x128xf32, #tpu.memory_space<hbm>>
        tpu.enqueue_indirect_dma source(%dma_start3A_16 : memref<10240x128xf32, #tpu.memory_space<hbm>>) target(%arg9 : memref<128x128xf32, #tpu.memory_space<vmem>>) offsets(%dma_start3A_13 : memref<128xi32, #tpu.memory_space<vmem>>) semaphore(%run_scoped3A : memref<!tpu.dma_semaphore, #tpu.memory_space<semaphore_mem>>)
        %dma_wait3A = arith.constant 0 : i32
        %dma_wait3A_17 = tpu.memref_slice %arg7[%scan3A_11, %dma_wait3A] : memref<79x128xi32, #tpu.memory_space<vmem>> -> memref<1x128xi32, #tpu.memory_space<vmem>>
        %dma_wait3A_18 = tpu.memref_squeeze %dma_wait3A_17 : memref<1x128xi32, #tpu.memory_space<vmem>> -> memref<128xi32, #tpu.memory_space<vmem>>
        %dma_wait3A_19 = arith.constant 0 : i32
        %dma_wait3A_20 = arith.constant 0 : i32
        %dma_wait3A_21 = tpu.memref_slice %arg2[%dma_wait3A_19, %dma_wait3A_20] : memref<10240x128xf32, #tpu.memory_space<hbm>> -> memref<10240x128xf32, #tpu.memory_space<hbm>>
        tpu.wait_indirect_dma semaphore(%run_scoped3A : memref<!tpu.dma_semaphore, #tpu.memory_space<semaphore_mem>>) src(%dma_wait3A_21 : memref<10240x128xf32, #tpu.memory_space<hbm>>) dst(%arg9 : memref<128x128xf32, #tpu.memory_space<vmem>>)
        tpu.yield
      }) : () -> ()
      "tpu.region"() ({
        %run_scoped3A = tpu.sem_alloc : memref<!tpu.dma_semaphore, #tpu.memory_space<semaphore_mem>>
        %dma_start3A = arith.constant 0 : i32
        %dma_start3A_12 = tpu.memref_slice %arg8[%scan3A_11, %dma_start3A] : memref<79x128xi32, #tpu.memory_space<vmem>> -> memref<1x128xi32, #tpu.memory_space<vmem>>
        %dma_start3A_13 = tpu.memref_squeeze %dma_start3A_12 : memref<1x128xi32, #tpu.memory_space<vmem>> -> memref<128xi32, #tpu.memory_space<vmem>>
        %dma_start3A_14 = arith.constant 0 : i32
        %dma_start3A_15 = arith.constant 0 : i32
        %dma_start3A_16 = tpu.memref_slice %arg10[%dma_start3A_14, %dma_start3A_15] : memref<10240x128xf32, #tpu.memory_space<vmem_shared>> -> memref<10240x128xf32, #tpu.memory_space<vmem_shared>>
        tpu.enqueue_indirect_dma source(%arg9 : memref<128x128xf32, #tpu.memory_space<vmem>>) target(%dma_start3A_16 : memref<10240x128xf32, #tpu.memory_space<vmem_shared>>) offsets(%dma_start3A_13 : memref<128xi32, #tpu.memory_space<vmem>>) semaphore(%run_scoped3A : memref<!tpu.dma_semaphore, #tpu.memory_space<semaphore_mem>>) {add = true}
        %dma_wait3A = arith.constant 0 : i32
        %dma_wait3A_17 = tpu.memref_slice %arg8[%scan3A_11, %dma_wait3A] : memref<79x128xi32, #tpu.memory_space<vmem>> -> memref<1x128xi32, #tpu.memory_space<vmem>>
        %dma_wait3A_18 = tpu.memref_squeeze %dma_wait3A_17 : memref<1x128xi32, #tpu.memory_space<vmem>> -> memref<128xi32, #tpu.memory_space<vmem>>
        %dma_wait3A_19 = arith.constant 0 : i32
        %dma_wait3A_20 = arith.constant 0 : i32
        %dma_wait3A_21 = tpu.memref_slice %arg10[%dma_wait3A_19, %dma_wait3A_20] : memref<10240x128xf32, #tpu.memory_space<vmem_shared>> -> memref<10240x128xf32, #tpu.memory_space<vmem_shared>>
        tpu.wait_indirect_dma semaphore(%run_scoped3A : memref<!tpu.dma_semaphore, #tpu.memory_space<semaphore_mem>>) src(%arg9 : memref<128x128xf32, #tpu.memory_space<vmem>>) dst(%dma_wait3A_21 : memref<10240x128xf32, #tpu.memory_space<vmem_shared>>)
        tpu.yield
      }) : () -> ()
    }
    %scan3A_5 = arith.constant 79 : i32
    %barrier3A_6 = arith.constant 0 : index
    tpu.barrier barrier_id(%barrier3A_6)
    %mul3A_7 = arith.constant 640 : i32
    %mul3A_8 = arith.muli %arg1, %mul3A_7 : i32
    %mul3A_9 = arith.constant 640 : i32
    %mul3A_10 = arith.muli %arg1, %mul3A_9 : i32
    "tpu.region"() ({
      %run_scoped3A = tpu.sem_alloc : memref<!tpu.dma_semaphore, #tpu.memory_space<semaphore_mem>>
      %dma_start3A = arith.constant 0 : i32
      %dma_start3A_11 = tpu.memref_slice %arg6[%arg0, %mul3A_10, %dma_start3A] : memref<2x10240x128xf32, #tpu.memory_space<hbm>> -> memref<1x640x128xf32, #tpu.memory_space<hbm>>
      %dma_start3A_12 = tpu.memref_squeeze %dma_start3A_11 : memref<1x640x128xf32, #tpu.memory_space<hbm>> -> memref<640x128xf32, #tpu.memory_space<hbm>>
      %dma_start3A_13 = arith.constant 0 : i32
      %dma_start3A_14 = tpu.memref_slice %arg10[%mul3A_8, %dma_start3A_13] : memref<10240x128xf32, #tpu.memory_space<vmem_shared>> -> memref<640x128xf32, #tpu.memory_space<vmem_shared>>
      tpu.enqueue_dma source(%dma_start3A_14 : memref<640x128xf32, #tpu.memory_space<vmem_shared>>) target(%dma_start3A_12 : memref<640x128xf32, #tpu.memory_space<hbm>>) target_semaphore(%run_scoped3A : memref<!tpu.dma_semaphore, #tpu.memory_space<semaphore_mem>>)
      %dma_wait3A = arith.constant 0 : i32
      %dma_wait3A_15 = tpu.memref_slice %arg6[%arg0, %mul3A_10, %dma_wait3A] : memref<2x10240x128xf32, #tpu.memory_space<hbm>> -> memref<1x640x128xf32, #tpu.memory_space<hbm>>
      %dma_wait3A_16 = tpu.memref_squeeze %dma_wait3A_15 : memref<1x640x128xf32, #tpu.memory_space<hbm>> -> memref<640x128xf32, #tpu.memory_space<hbm>>
      %dma_wait3A_17 = arith.constant 0 : i32
      %dma_wait3A_18 = tpu.memref_slice %arg10[%mul3A_8, %dma_wait3A_17] : memref<10240x128xf32, #tpu.memory_space<vmem_shared>> -> memref<640x128xf32, #tpu.memory_space<vmem_shared>>
      tpu.wait_dma2 semaphore(%run_scoped3A : memref<!tpu.dma_semaphore, #tpu.memory_space<semaphore_mem>>) src(%dma_wait3A_18 : memref<640x128xf32, #tpu.memory_space<vmem_shared>>) dst(%dma_wait3A_16 : memref<640x128xf32, #tpu.memory_space<hbm>>)
      tpu.yield
    }) : () -> ()
    return
  }
}

#map = affine_map<(d0, d1) -> (0, 0)>
#map1 = affine_map<(d0, d1) -> (0, 0, 0, 0)>
#map2 = affine_map<(d0, d1) -> (0, 0, 0)>
module attributes {stable_mosaic.version = 14 : i64} {
  func.func @_seg_body(%arg0: i32, %arg1: i32, %arg2: memref<10240x128xf32, #tpu.memory_space<hbm>>, %arg3: memref<2x16x79x128xi32, #tpu.memory_space<hbm>>, %arg4: memref<2x16x79x128xi32, #tpu.memory_space<hbm>>, %arg5: memref<640x128xf32, #tpu.memory_space<hbm>>, %arg6: memref<2x10240x128xf32, #tpu.memory_space<hbm>>, %arg7: memref<79x128xi32, #tpu.memory_space<vmem>>, %arg8: memref<79x128xi32, #tpu.memory_space<vmem>>, %arg9: memref<128x128xf32, #tpu.memory_space<vmem>>, %arg10: memref<10240x128xf32, #tpu.memory_space<vmem_shared>>) attributes {dimension_semantics = [#tpu.dimension_semantics<core_parallel>, #tpu.dimension_semantics<subcore_parallel>], iteration_bounds = array<i64: 2, 16>, scalar_prefetch = 0 : i64, scratch_operands = 4 : i64, tpu.core_type = #tpu.core_type<sc_vector_subcore>, window_params = [{transform_indices = #map}, {transform_indices = #map1}, {transform_indices = #map1}, {transform_indices = #map}, {transform_indices = #map2}]} {
    "tpu.region"() ({
      %run_scoped3A = tpu.sem_alloc : memref<!tpu.dma_semaphore, #tpu.memory_space<semaphore_mem>>
      %dma_start3A = arith.constant 0 : i32
      %dma_start3A_11 = arith.constant 0 : i32
      %dma_start3A_12 = tpu.memref_slice %arg3[%arg0, %arg1, %dma_start3A, %dma_start3A_11] : memref<2x16x79x128xi32, #tpu.memory_space<hbm>> -> memref<1x1x79x128xi32, #tpu.memory_space<hbm>>
      %dma_start3A_13 = tpu.memref_squeeze %dma_start3A_12 : memref<1x1x79x128xi32, #tpu.memory_space<hbm>> -> memref<79x128xi32, #tpu.memory_space<hbm>>
      %dma_start3A_14 = arith.constant 0 : i32
      %dma_start3A_15 = arith.constant 0 : i32
      %dma_start3A_16 = tpu.memref_slice %arg3[%arg0, %arg1, %dma_start3A_14, %dma_start3A_15] : memref<2x16x79x128xi32, #tpu.memory_space<hbm>> -> memref<1x1x79x128xi32, #tpu.memory_space<hbm>>
      %dma_start3A_17 = tpu.memref_squeeze %dma_start3A_16 : memref<1x1x79x128xi32, #tpu.memory_space<hbm>> -> memref<79x128xi32, #tpu.memory_space<hbm>>
      tpu.enqueue_dma source(%dma_start3A_17 : memref<79x128xi32, #tpu.memory_space<hbm>>) target(%arg7 : memref<79x128xi32, #tpu.memory_space<vmem>>) target_semaphore(%run_scoped3A : memref<!tpu.dma_semaphore, #tpu.memory_space<semaphore_mem>>)
      %dma_wait3A = arith.constant 0 : i32
      %dma_wait3A_18 = arith.constant 0 : i32
      %dma_wait3A_19 = tpu.memref_slice %arg3[%arg0, %arg1, %dma_wait3A, %dma_wait3A_18] : memref<2x16x79x128xi32, #tpu.memory_space<hbm>> -> memref<1x1x79x128xi32, #tpu.memory_space<hbm>>
      %dma_wait3A_20 = tpu.memref_squeeze %dma_wait3A_19 : memref<1x1x79x128xi32, #tpu.memory_space<hbm>> -> memref<79x128xi32, #tpu.memory_space<hbm>>
      %dma_wait3A_21 = arith.constant 0 : i32
      %dma_wait3A_22 = arith.constant 0 : i32
      %dma_wait3A_23 = tpu.memref_slice %arg3[%arg0, %arg1, %dma_wait3A_21, %dma_wait3A_22] : memref<2x16x79x128xi32, #tpu.memory_space<hbm>> -> memref<1x1x79x128xi32, #tpu.memory_space<hbm>>
      %dma_wait3A_24 = tpu.memref_squeeze %dma_wait3A_23 : memref<1x1x79x128xi32, #tpu.memory_space<hbm>> -> memref<79x128xi32, #tpu.memory_space<hbm>>
      tpu.wait_dma2 semaphore(%run_scoped3A : memref<!tpu.dma_semaphore, #tpu.memory_space<semaphore_mem>>) src(%dma_wait3A_24 : memref<79x128xi32, #tpu.memory_space<hbm>>) dst(%arg7 : memref<79x128xi32, #tpu.memory_space<vmem>>)
      tpu.yield
    }) : () -> ()
    "tpu.region"() ({
      %run_scoped3A = tpu.sem_alloc : memref<!tpu.dma_semaphore, #tpu.memory_space<semaphore_mem>>
      %dma_start3A = arith.constant 0 : i32
      %dma_start3A_11 = arith.constant 0 : i32
      %dma_start3A_12 = tpu.memref_slice %arg4[%arg0, %arg1, %dma_start3A, %dma_start3A_11] : memref<2x16x79x128xi32, #tpu.memory_space<hbm>> -> memref<1x1x79x128xi32, #tpu.memory_space<hbm>>
      %dma_start3A_13 = tpu.memref_squeeze %dma_start3A_12 : memref<1x1x79x128xi32, #tpu.memory_space<hbm>> -> memref<79x128xi32, #tpu.memory_space<hbm>>
      %dma_start3A_14 = arith.constant 0 : i32
      %dma_start3A_15 = arith.constant 0 : i32
      %dma_start3A_16 = tpu.memref_slice %arg4[%arg0, %arg1, %dma_start3A_14, %dma_start3A_15] : memref<2x16x79x128xi32, #tpu.memory_space<hbm>> -> memref<1x1x79x128xi32, #tpu.memory_space<hbm>>
      %dma_start3A_17 = tpu.memref_squeeze %dma_start3A_16 : memref<1x1x79x128xi32, #tpu.memory_space<hbm>> -> memref<79x128xi32, #tpu.memory_space<hbm>>
      tpu.enqueue_dma source(%dma_start3A_17 : memref<79x128xi32, #tpu.memory_space<hbm>>) target(%arg8 : memref<79x128xi32, #tpu.memory_space<vmem>>) target_semaphore(%run_scoped3A : memref<!tpu.dma_semaphore, #tpu.memory_space<semaphore_mem>>)
      %dma_wait3A = arith.constant 0 : i32
      %dma_wait3A_18 = arith.constant 0 : i32
      %dma_wait3A_19 = tpu.memref_slice %arg4[%arg0, %arg1, %dma_wait3A, %dma_wait3A_18] : memref<2x16x79x128xi32, #tpu.memory_space<hbm>> -> memref<1x1x79x128xi32, #tpu.memory_space<hbm>>
      %dma_wait3A_20 = tpu.memref_squeeze %dma_wait3A_19 : memref<1x1x79x128xi32, #tpu.memory_space<hbm>> -> memref<79x128xi32, #tpu.memory_space<hbm>>
      %dma_wait3A_21 = arith.constant 0 : i32
      %dma_wait3A_22 = arith.constant 0 : i32
      %dma_wait3A_23 = tpu.memref_slice %arg4[%arg0, %arg1, %dma_wait3A_21, %dma_wait3A_22] : memref<2x16x79x128xi32, #tpu.memory_space<hbm>> -> memref<1x1x79x128xi32, #tpu.memory_space<hbm>>
      %dma_wait3A_24 = tpu.memref_squeeze %dma_wait3A_23 : memref<1x1x79x128xi32, #tpu.memory_space<hbm>> -> memref<79x128xi32, #tpu.memory_space<hbm>>
      tpu.wait_dma2 semaphore(%run_scoped3A : memref<!tpu.dma_semaphore, #tpu.memory_space<semaphore_mem>>) src(%dma_wait3A_24 : memref<79x128xi32, #tpu.memory_space<hbm>>) dst(%arg8 : memref<79x128xi32, #tpu.memory_space<vmem>>)
      tpu.yield
    }) : () -> ()
    %mul3A = arith.constant 640 : i32
    %mul3A_0 = arith.muli %arg1, %mul3A : i32
    "tpu.region"() ({
      %run_scoped3A = tpu.sem_alloc : memref<!tpu.dma_semaphore, #tpu.memory_space<semaphore_mem>>
      %dma_start3A = arith.constant 0 : i32
      %dma_start3A_11 = tpu.memref_slice %arg10[%mul3A_0, %dma_start3A] : memref<10240x128xf32, #tpu.memory_space<vmem_shared>> -> memref<640x128xf32, #tpu.memory_space<vmem_shared>>
      tpu.enqueue_dma source(%arg5 : memref<640x128xf32, #tpu.memory_space<hbm>>) target(%dma_start3A_11 : memref<640x128xf32, #tpu.memory_space<vmem_shared>>) target_semaphore(%run_scoped3A : memref<!tpu.dma_semaphore, #tpu.memory_space<semaphore_mem>>)
      %dma_wait3A = arith.constant 0 : i32
      %dma_wait3A_12 = tpu.memref_slice %arg10[%mul3A_0, %dma_wait3A] : memref<10240x128xf32, #tpu.memory_space<vmem_shared>> -> memref<640x128xf32, #tpu.memory_space<vmem_shared>>
      tpu.wait_dma2 semaphore(%run_scoped3A : memref<!tpu.dma_semaphore, #tpu.memory_space<semaphore_mem>>) src(%arg5 : memref<640x128xf32, #tpu.memory_space<hbm>>) dst(%dma_wait3A_12 : memref<640x128xf32, #tpu.memory_space<vmem_shared>>)
      tpu.yield
    }) : () -> ()
    %barrier3A = arith.constant 0 : index
    tpu.barrier barrier_id(%barrier3A)
    %scan3A = arith.constant 0 : i32
    %scan3A_1 = arith.constant 0 : i32
    %scan3A_2 = arith.constant 79 : i32
    %scan3A_3 = arith.addi %scan3A_1, %scan3A_2 : i32
    %scan3A_4 = arith.constant 1 : i32
    scf.for %scan3A_11 = %scan3A_1 to %scan3A_3 step %scan3A_4  : i32 {
      "tpu.region"() ({
        %run_scoped3A = tpu.sem_alloc : memref<!tpu.dma_semaphore, #tpu.memory_space<semaphore_mem>>
        %dma_start3A = arith.constant 0 : i32
        %dma_start3A_12 = tpu.memref_slice %arg7[%scan3A_11, %dma_start3A] : memref<79x128xi32, #tpu.memory_space<vmem>> -> memref<1x128xi32, #tpu.memory_space<vmem>>
        %dma_start3A_13 = tpu.memref_squeeze %dma_start3A_12 : memref<1x128xi32, #tpu.memory_space<vmem>> -> memref<128xi32, #tpu.memory_space<vmem>>
        %dma_start3A_14 = arith.constant 0 : i32
        %dma_start3A_15 = arith.constant 0 : i32
        %dma_start3A_16 = tpu.memref_slice %arg2[%dma_start3A_14, %dma_start3A_15] : memref<10240x128xf32, #tpu.memory_space<hbm>> -> memref<10240x128xf32, #tpu.memory_space<hbm>>
        tpu.enqueue_indirect_dma source(%dma_start3A_16 : memref<10240x128xf32, #tpu.memory_space<hbm>>) target(%arg9 : memref<128x128xf32, #tpu.memory_space<vmem>>) offsets(%dma_start3A_13 : memref<128xi32, #tpu.memory_space<vmem>>) semaphore(%run_scoped3A : memref<!tpu.dma_semaphore, #tpu.memory_space<semaphore_mem>>)
        %dma_wait3A = arith.constant 0 : i32
        %dma_wait3A_17 = tpu.memref_slice %arg7[%scan3A_11, %dma_wait3A] : memref<79x128xi32, #tpu.memory_space<vmem>> -> memref<1x128xi32, #tpu.memory_space<vmem>>
        %dma_wait3A_18 = tpu.memref_squeeze %dma_wait3A_17 : memref<1x128xi32, #tpu.memory_space<vmem>> -> memref<128xi32, #tpu.memory_space<vmem>>
        %dma_wait3A_19 = arith.constant 0 : i32
        %dma_wait3A_20 = arith.constant 0 : i32
        %dma_wait3A_21 = tpu.memref_slice %arg2[%dma_wait3A_19, %dma_wait3A_20] : memref<10240x128xf32, #tpu.memory_space<hbm>> -> memref<10240x128xf32, #tpu.memory_space<hbm>>
        tpu.wait_indirect_dma semaphore(%run_scoped3A : memref<!tpu.dma_semaphore, #tpu.memory_space<semaphore_mem>>) src(%dma_wait3A_21 : memref<10240x128xf32, #tpu.memory_space<hbm>>) dst(%arg9 : memref<128x128xf32, #tpu.memory_space<vmem>>)
        tpu.yield
      }) : () -> ()
      "tpu.region"() ({
        %run_scoped3A = tpu.sem_alloc : memref<!tpu.dma_semaphore, #tpu.memory_space<semaphore_mem>>
        %dma_start3A = arith.constant 0 : i32
        %dma_start3A_12 = tpu.memref_slice %arg8[%scan3A_11, %dma_start3A] : memref<79x128xi32, #tpu.memory_space<vmem>> -> memref<1x128xi32, #tpu.memory_space<vmem>>
        %dma_start3A_13 = tpu.memref_squeeze %dma_start3A_12 : memref<1x128xi32, #tpu.memory_space<vmem>> -> memref<128xi32, #tpu.memory_space<vmem>>
        %dma_start3A_14 = arith.constant 0 : i32
        %dma_start3A_15 = arith.constant 0 : i32
        %dma_start3A_16 = tpu.memref_slice %arg10[%dma_start3A_14, %dma_start3A_15] : memref<10240x128xf32, #tpu.memory_space<vmem_shared>> -> memref<10240x128xf32, #tpu.memory_space<vmem_shared>>
        tpu.enqueue_indirect_dma source(%arg9 : memref<128x128xf32, #tpu.memory_space<vmem>>) target(%dma_start3A_16 : memref<10240x128xf32, #tpu.memory_space<vmem_shared>>) offsets(%dma_start3A_13 : memref<128xi32, #tpu.memory_space<vmem>>) semaphore(%run_scoped3A : memref<!tpu.dma_semaphore, #tpu.memory_space<semaphore_mem>>) {add = true}
        %dma_wait3A = arith.constant 0 : i32
        %dma_wait3A_17 = tpu.memref_slice %arg8[%scan3A_11, %dma_wait3A] : memref<79x128xi32, #tpu.memory_space<vmem>> -> memref<1x128xi32, #tpu.memory_space<vmem>>
        %dma_wait3A_18 = tpu.memref_squeeze %dma_wait3A_17 : memref<1x128xi32, #tpu.memory_space<vmem>> -> memref<128xi32, #tpu.memory_space<vmem>>
        %dma_wait3A_19 = arith.constant 0 : i32
        %dma_wait3A_20 = arith.constant 0 : i32
        %dma_wait3A_21 = tpu.memref_slice %arg10[%dma_wait3A_19, %dma_wait3A_20] : memref<10240x128xf32, #tpu.memory_space<vmem_shared>> -> memref<10240x128xf32, #tpu.memory_space<vmem_shared>>
        tpu.wait_indirect_dma semaphore(%run_scoped3A : memref<!tpu.dma_semaphore, #tpu.memory_space<semaphore_mem>>) src(%arg9 : memref<128x128xf32, #tpu.memory_space<vmem>>) dst(%dma_wait3A_21 : memref<10240x128xf32, #tpu.memory_space<vmem_shared>>)
        tpu.yield
      }) : () -> ()
    }
    %scan3A_5 = arith.constant 79 : i32
    %barrier3A_6 = arith.constant 0 : index
    tpu.barrier barrier_id(%barrier3A_6)
    %mul3A_7 = arith.constant 640 : i32
    %mul3A_8 = arith.muli %arg1, %mul3A_7 : i32
    %mul3A_9 = arith.constant 640 : i32
    %mul3A_10 = arith.muli %arg1, %mul3A_9 : i32
    "tpu.region"() ({
      %run_scoped3A = tpu.sem_alloc : memref<!tpu.dma_semaphore, #tpu.memory_space<semaphore_mem>>
      %dma_start3A = arith.constant 0 : i32
      %dma_start3A_11 = tpu.memref_slice %arg6[%arg0, %mul3A_10, %dma_start3A] : memref<2x10240x128xf32, #tpu.memory_space<hbm>> -> memref<1x640x128xf32, #tpu.memory_space<hbm>>
      %dma_start3A_12 = tpu.memref_squeeze %dma_start3A_11 : memref<1x640x128xf32, #tpu.memory_space<hbm>> -> memref<640x128xf32, #tpu.memory_space<hbm>>
      %dma_start3A_13 = arith.constant 0 : i32
      %dma_start3A_14 = tpu.memref_slice %arg10[%mul3A_8, %dma_start3A_13] : memref<10240x128xf32, #tpu.memory_space<vmem_shared>> -> memref<640x128xf32, #tpu.memory_space<vmem_shared>>
      tpu.enqueue_dma source(%dma_start3A_14 : memref<640x128xf32, #tpu.memory_space<vmem_shared>>) target(%dma_start3A_12 : memref<640x128xf32, #tpu.memory_space<hbm>>) target_semaphore(%run_scoped3A : memref<!tpu.dma_semaphore, #tpu.memory_space<semaphore_mem>>)
      %dma_wait3A = arith.constant 0 : i32
      %dma_wait3A_15 = tpu.memref_slice %arg6[%arg0, %mul3A_10, %dma_wait3A] : memref<2x10240x128xf32, #tpu.memory_space<hbm>> -> memref<1x640x128xf32, #tpu.memory_space<hbm>>
      %dma_wait3A_16 = tpu.memref_squeeze %dma_wait3A_15 : memref<1x640x128xf32, #tpu.memory_space<hbm>> -> memref<640x128xf32, #tpu.memory_space<hbm>>
      %dma_wait3A_17 = arith.constant 0 : i32
      %dma_wait3A_18 = tpu.memref_slice %arg10[%mul3A_8, %dma_wait3A_17] : memref<10240x128xf32, #tpu.memory_space<vmem_shared>> -> memref<640x128xf32, #tpu.memory_space<vmem_shared>>
      tpu.wait_dma2 semaphore(%run_scoped3A : memref<!tpu.dma_semaphore, #tpu.memory_space<semaphore_mem>>) src(%dma_wait3A_18 : memref<640x128xf32, #tpu.memory_space<vmem_shared>>) dst(%dma_wait3A_16 : memref<640x128xf32, #tpu.memory_space<hbm>>)
      tpu.yield
    }) : () -> ()
    return
  }
}

#map = affine_map<(d0, d1) -> (0, 0)>
#map1 = affine_map<(d0, d1) -> (0, 0, 0, 0)>
#map2 = affine_map<(d0, d1) -> (0, 0, 0)>
module attributes {stable_mosaic.version = 14 : i64} {
  func.func @_seg_body(%arg0: i32, %arg1: i32, %arg2: memref<10240x128xf32, #tpu.memory_space<hbm>>, %arg3: memref<2x16x79x128xi32, #tpu.memory_space<hbm>>, %arg4: memref<2x16x79x128xi32, #tpu.memory_space<hbm>>, %arg5: memref<640x128xf32, #tpu.memory_space<hbm>>, %arg6: memref<2x10240x128xf32, #tpu.memory_space<hbm>>, %arg7: memref<79x128xi32, #tpu.memory_space<vmem>>, %arg8: memref<79x128xi32, #tpu.memory_space<vmem>>, %arg9: memref<128x128xf32, #tpu.memory_space<vmem>>, %arg10: memref<10240x128xf32, #tpu.memory_space<vmem_shared>>) attributes {dimension_semantics = [#tpu.dimension_semantics<core_parallel>, #tpu.dimension_semantics<subcore_parallel>], iteration_bounds = array<i64: 2, 16>, scalar_prefetch = 0 : i64, scratch_operands = 4 : i64, tpu.core_type = #tpu.core_type<sc_vector_subcore>, window_params = [{transform_indices = #map}, {transform_indices = #map1}, {transform_indices = #map1}, {transform_indices = #map}, {transform_indices = #map2}]} {
    "tpu.region"() ({
      %run_scoped3A = tpu.sem_alloc : memref<!tpu.dma_semaphore, #tpu.memory_space<semaphore_mem>>
      %dma_start3A = arith.constant 0 : i32
      %dma_start3A_11 = arith.constant 0 : i32
      %dma_start3A_12 = tpu.memref_slice %arg3[%arg0, %arg1, %dma_start3A, %dma_start3A_11] : memref<2x16x79x128xi32, #tpu.memory_space<hbm>> -> memref<1x1x79x128xi32, #tpu.memory_space<hbm>>
      %dma_start3A_13 = tpu.memref_squeeze %dma_start3A_12 : memref<1x1x79x128xi32, #tpu.memory_space<hbm>> -> memref<79x128xi32, #tpu.memory_space<hbm>>
      %dma_start3A_14 = arith.constant 0 : i32
      %dma_start3A_15 = arith.constant 0 : i32
      %dma_start3A_16 = tpu.memref_slice %arg3[%arg0, %arg1, %dma_start3A_14, %dma_start3A_15] : memref<2x16x79x128xi32, #tpu.memory_space<hbm>> -> memref<1x1x79x128xi32, #tpu.memory_space<hbm>>
      %dma_start3A_17 = tpu.memref_squeeze %dma_start3A_16 : memref<1x1x79x128xi32, #tpu.memory_space<hbm>> -> memref<79x128xi32, #tpu.memory_space<hbm>>
      tpu.enqueue_dma source(%dma_start3A_17 : memref<79x128xi32, #tpu.memory_space<hbm>>) target(%arg7 : memref<79x128xi32, #tpu.memory_space<vmem>>) target_semaphore(%run_scoped3A : memref<!tpu.dma_semaphore, #tpu.memory_space<semaphore_mem>>)
      %dma_wait3A = arith.constant 0 : i32
      %dma_wait3A_18 = arith.constant 0 : i32
      %dma_wait3A_19 = tpu.memref_slice %arg3[%arg0, %arg1, %dma_wait3A, %dma_wait3A_18] : memref<2x16x79x128xi32, #tpu.memory_space<hbm>> -> memref<1x1x79x128xi32, #tpu.memory_space<hbm>>
      %dma_wait3A_20 = tpu.memref_squeeze %dma_wait3A_19 : memref<1x1x79x128xi32, #tpu.memory_space<hbm>> -> memref<79x128xi32, #tpu.memory_space<hbm>>
      %dma_wait3A_21 = arith.constant 0 : i32
      %dma_wait3A_22 = arith.constant 0 : i32
      %dma_wait3A_23 = tpu.memref_slice %arg3[%arg0, %arg1, %dma_wait3A_21, %dma_wait3A_22] : memref<2x16x79x128xi32, #tpu.memory_space<hbm>> -> memref<1x1x79x128xi32, #tpu.memory_space<hbm>>
      %dma_wait3A_24 = tpu.memref_squeeze %dma_wait3A_23 : memref<1x1x79x128xi32, #tpu.memory_space<hbm>> -> memref<79x128xi32, #tpu.memory_space<hbm>>
      tpu.wait_dma2 semaphore(%run_scoped3A : memref<!tpu.dma_semaphore, #tpu.memory_space<semaphore_mem>>) src(%dma_wait3A_24 : memref<79x128xi32, #tpu.memory_space<hbm>>) dst(%arg7 : memref<79x128xi32, #tpu.memory_space<vmem>>)
      tpu.yield
    }) : () -> ()
    "tpu.region"() ({
      %run_scoped3A = tpu.sem_alloc : memref<!tpu.dma_semaphore, #tpu.memory_space<semaphore_mem>>
      %dma_start3A = arith.constant 0 : i32
      %dma_start3A_11 = arith.constant 0 : i32
      %dma_start3A_12 = tpu.memref_slice %arg4[%arg0, %arg1, %dma_start3A, %dma_start3A_11] : memref<2x16x79x128xi32, #tpu.memory_space<hbm>> -> memref<1x1x79x128xi32, #tpu.memory_space<hbm>>
      %dma_start3A_13 = tpu.memref_squeeze %dma_start3A_12 : memref<1x1x79x128xi32, #tpu.memory_space<hbm>> -> memref<79x128xi32, #tpu.memory_space<hbm>>
      %dma_start3A_14 = arith.constant 0 : i32
      %dma_start3A_15 = arith.constant 0 : i32
      %dma_start3A_16 = tpu.memref_slice %arg4[%arg0, %arg1, %dma_start3A_14, %dma_start3A_15] : memref<2x16x79x128xi32, #tpu.memory_space<hbm>> -> memref<1x1x79x128xi32, #tpu.memory_space<hbm>>
      %dma_start3A_17 = tpu.memref_squeeze %dma_start3A_16 : memref<1x1x79x128xi32, #tpu.memory_space<hbm>> -> memref<79x128xi32, #tpu.memory_space<hbm>>
      tpu.enqueue_dma source(%dma_start3A_17 : memref<79x128xi32, #tpu.memory_space<hbm>>) target(%arg8 : memref<79x128xi32, #tpu.memory_space<vmem>>) target_semaphore(%run_scoped3A : memref<!tpu.dma_semaphore, #tpu.memory_space<semaphore_mem>>)
      %dma_wait3A = arith.constant 0 : i32
      %dma_wait3A_18 = arith.constant 0 : i32
      %dma_wait3A_19 = tpu.memref_slice %arg4[%arg0, %arg1, %dma_wait3A, %dma_wait3A_18] : memref<2x16x79x128xi32, #tpu.memory_space<hbm>> -> memref<1x1x79x128xi32, #tpu.memory_space<hbm>>
      %dma_wait3A_20 = tpu.memref_squeeze %dma_wait3A_19 : memref<1x1x79x128xi32, #tpu.memory_space<hbm>> -> memref<79x128xi32, #tpu.memory_space<hbm>>
      %dma_wait3A_21 = arith.constant 0 : i32
      %dma_wait3A_22 = arith.constant 0 : i32
      %dma_wait3A_23 = tpu.memref_slice %arg4[%arg0, %arg1, %dma_wait3A_21, %dma_wait3A_22] : memref<2x16x79x128xi32, #tpu.memory_space<hbm>> -> memref<1x1x79x128xi32, #tpu.memory_space<hbm>>
      %dma_wait3A_24 = tpu.memref_squeeze %dma_wait3A_23 : memref<1x1x79x128xi32, #tpu.memory_space<hbm>> -> memref<79x128xi32, #tpu.memory_space<hbm>>
      tpu.wait_dma2 semaphore(%run_scoped3A : memref<!tpu.dma_semaphore, #tpu.memory_space<semaphore_mem>>) src(%dma_wait3A_24 : memref<79x128xi32, #tpu.memory_space<hbm>>) dst(%arg8 : memref<79x128xi32, #tpu.memory_space<vmem>>)
      tpu.yield
    }) : () -> ()
    %mul3A = arith.constant 640 : i32
    %mul3A_0 = arith.muli %arg1, %mul3A : i32
    "tpu.region"() ({
      %run_scoped3A = tpu.sem_alloc : memref<!tpu.dma_semaphore, #tpu.memory_space<semaphore_mem>>
      %dma_start3A = arith.constant 0 : i32
      %dma_start3A_11 = tpu.memref_slice %arg10[%mul3A_0, %dma_start3A] : memref<10240x128xf32, #tpu.memory_space<vmem_shared>> -> memref<640x128xf32, #tpu.memory_space<vmem_shared>>
      tpu.enqueue_dma source(%arg5 : memref<640x128xf32, #tpu.memory_space<hbm>>) target(%dma_start3A_11 : memref<640x128xf32, #tpu.memory_space<vmem_shared>>) target_semaphore(%run_scoped3A : memref<!tpu.dma_semaphore, #tpu.memory_space<semaphore_mem>>)
      %dma_wait3A = arith.constant 0 : i32
      %dma_wait3A_12 = tpu.memref_slice %arg10[%mul3A_0, %dma_wait3A] : memref<10240x128xf32, #tpu.memory_space<vmem_shared>> -> memref<640x128xf32, #tpu.memory_space<vmem_shared>>
      tpu.wait_dma2 semaphore(%run_scoped3A : memref<!tpu.dma_semaphore, #tpu.memory_space<semaphore_mem>>) src(%arg5 : memref<640x128xf32, #tpu.memory_space<hbm>>) dst(%dma_wait3A_12 : memref<640x128xf32, #tpu.memory_space<vmem_shared>>)
      tpu.yield
    }) : () -> ()
    %barrier3A = arith.constant 0 : index
    tpu.barrier barrier_id(%barrier3A)
    %scan3A = arith.constant 0 : i32
    %scan3A_1 = arith.constant 0 : i32
    %scan3A_2 = arith.constant 79 : i32
    %scan3A_3 = arith.addi %scan3A_1, %scan3A_2 : i32
    %scan3A_4 = arith.constant 1 : i32
    scf.for %scan3A_11 = %scan3A_1 to %scan3A_3 step %scan3A_4  : i32 {
      "tpu.region"() ({
        %run_scoped3A = tpu.sem_alloc : memref<!tpu.dma_semaphore, #tpu.memory_space<semaphore_mem>>
        %dma_start3A = arith.constant 0 : i32
        %dma_start3A_12 = tpu.memref_slice %arg7[%scan3A_11, %dma_start3A] : memref<79x128xi32, #tpu.memory_space<vmem>> -> memref<1x128xi32, #tpu.memory_space<vmem>>
        %dma_start3A_13 = tpu.memref_squeeze %dma_start3A_12 : memref<1x128xi32, #tpu.memory_space<vmem>> -> memref<128xi32, #tpu.memory_space<vmem>>
        %dma_start3A_14 = arith.constant 0 : i32
        %dma_start3A_15 = arith.constant 0 : i32
        %dma_start3A_16 = tpu.memref_slice %arg2[%dma_start3A_14, %dma_start3A_15] : memref<10240x128xf32, #tpu.memory_space<hbm>> -> memref<10240x128xf32, #tpu.memory_space<hbm>>
        tpu.enqueue_indirect_dma source(%dma_start3A_16 : memref<10240x128xf32, #tpu.memory_space<hbm>>) target(%arg9 : memref<128x128xf32, #tpu.memory_space<vmem>>) offsets(%dma_start3A_13 : memref<128xi32, #tpu.memory_space<vmem>>) semaphore(%run_scoped3A : memref<!tpu.dma_semaphore, #tpu.memory_space<semaphore_mem>>)
        %dma_wait3A = arith.constant 0 : i32
        %dma_wait3A_17 = tpu.memref_slice %arg7[%scan3A_11, %dma_wait3A] : memref<79x128xi32, #tpu.memory_space<vmem>> -> memref<1x128xi32, #tpu.memory_space<vmem>>
        %dma_wait3A_18 = tpu.memref_squeeze %dma_wait3A_17 : memref<1x128xi32, #tpu.memory_space<vmem>> -> memref<128xi32, #tpu.memory_space<vmem>>
        %dma_wait3A_19 = arith.constant 0 : i32
        %dma_wait3A_20 = arith.constant 0 : i32
        %dma_wait3A_21 = tpu.memref_slice %arg2[%dma_wait3A_19, %dma_wait3A_20] : memref<10240x128xf32, #tpu.memory_space<hbm>> -> memref<10240x128xf32, #tpu.memory_space<hbm>>
        tpu.wait_indirect_dma semaphore(%run_scoped3A : memref<!tpu.dma_semaphore, #tpu.memory_space<semaphore_mem>>) src(%dma_wait3A_21 : memref<10240x128xf32, #tpu.memory_space<hbm>>) dst(%arg9 : memref<128x128xf32, #tpu.memory_space<vmem>>)
        tpu.yield
      }) : () -> ()
      "tpu.region"() ({
        %run_scoped3A = tpu.sem_alloc : memref<!tpu.dma_semaphore, #tpu.memory_space<semaphore_mem>>
        %dma_start3A = arith.constant 0 : i32
        %dma_start3A_12 = tpu.memref_slice %arg8[%scan3A_11, %dma_start3A] : memref<79x128xi32, #tpu.memory_space<vmem>> -> memref<1x128xi32, #tpu.memory_space<vmem>>
        %dma_start3A_13 = tpu.memref_squeeze %dma_start3A_12 : memref<1x128xi32, #tpu.memory_space<vmem>> -> memref<128xi32, #tpu.memory_space<vmem>>
        %dma_start3A_14 = arith.constant 0 : i32
        %dma_start3A_15 = arith.constant 0 : i32
        %dma_start3A_16 = tpu.memref_slice %arg10[%dma_start3A_14, %dma_start3A_15] : memref<10240x128xf32, #tpu.memory_space<vmem_shared>> -> memref<10240x128xf32, #tpu.memory_space<vmem_shared>>
        tpu.enqueue_indirect_dma source(%arg9 : memref<128x128xf32, #tpu.memory_space<vmem>>) target(%dma_start3A_16 : memref<10240x128xf32, #tpu.memory_space<vmem_shared>>) offsets(%dma_start3A_13 : memref<128xi32, #tpu.memory_space<vmem>>) semaphore(%run_scoped3A : memref<!tpu.dma_semaphore, #tpu.memory_space<semaphore_mem>>) {add = true}
        %dma_wait3A = arith.constant 0 : i32
        %dma_wait3A_17 = tpu.memref_slice %arg8[%scan3A_11, %dma_wait3A] : memref<79x128xi32, #tpu.memory_space<vmem>> -> memref<1x128xi32, #tpu.memory_space<vmem>>
        %dma_wait3A_18 = tpu.memref_squeeze %dma_wait3A_17 : memref<1x128xi32, #tpu.memory_space<vmem>> -> memref<128xi32, #tpu.memory_space<vmem>>
        %dma_wait3A_19 = arith.constant 0 : i32
        %dma_wait3A_20 = arith.constant 0 : i32
        %dma_wait3A_21 = tpu.memref_slice %arg10[%dma_wait3A_19, %dma_wait3A_20] : memref<10240x128xf32, #tpu.memory_space<vmem_shared>> -> memref<10240x128xf32, #tpu.memory_space<vmem_shared>>
        tpu.wait_indirect_dma semaphore(%run_scoped3A : memref<!tpu.dma_semaphore, #tpu.memory_space<semaphore_mem>>) src(%arg9 : memref<128x128xf32, #tpu.memory_space<vmem>>) dst(%dma_wait3A_21 : memref<10240x128xf32, #tpu.memory_space<vmem_shared>>)
        tpu.yield
      }) : () -> ()
    }
    %scan3A_5 = arith.constant 79 : i32
    %barrier3A_6 = arith.constant 0 : index
    tpu.barrier barrier_id(%barrier3A_6)
    %mul3A_7 = arith.constant 640 : i32
    %mul3A_8 = arith.muli %arg1, %mul3A_7 : i32
    %mul3A_9 = arith.constant 640 : i32
    %mul3A_10 = arith.muli %arg1, %mul3A_9 : i32
    "tpu.region"() ({
      %run_scoped3A = tpu.sem_alloc : memref<!tpu.dma_semaphore, #tpu.memory_space<semaphore_mem>>
      %dma_start3A = arith.constant 0 : i32
      %dma_start3A_11 = tpu.memref_slice %arg6[%arg0, %mul3A_10, %dma_start3A] : memref<2x10240x128xf32, #tpu.memory_space<hbm>> -> memref<1x640x128xf32, #tpu.memory_space<hbm>>
      %dma_start3A_12 = tpu.memref_squeeze %dma_start3A_11 : memref<1x640x128xf32, #tpu.memory_space<hbm>> -> memref<640x128xf32, #tpu.memory_space<hbm>>
      %dma_start3A_13 = arith.constant 0 : i32
      %dma_start3A_14 = tpu.memref_slice %arg10[%mul3A_8, %dma_start3A_13] : memref<10240x128xf32, #tpu.memory_space<vmem_shared>> -> memref<640x128xf32, #tpu.memory_space<vmem_shared>>
      tpu.enqueue_dma source(%dma_start3A_14 : memref<640x128xf32, #tpu.memory_space<vmem_shared>>) target(%dma_start3A_12 : memref<640x128xf32, #tpu.memory_space<hbm>>) target_semaphore(%run_scoped3A : memref<!tpu.dma_semaphore, #tpu.memory_space<semaphore_mem>>)
      %dma_wait3A = arith.constant 0 : i32
      %dma_wait3A_15 = tpu.memref_slice %arg6[%arg0, %mul3A_10, %dma_wait3A] : memref<2x10240x128xf32, #tpu.memory_space<hbm>> -> memref<1x640x128xf32, #tpu.memory_space<hbm>>
      %dma_wait3A_16 = tpu.memref_squeeze %dma_wait3A_15 : memref<1x640x128xf32, #tpu.memory_space<hbm>> -> memref<640x128xf32, #tpu.memory_space<hbm>>
      %dma_wait3A_17 = arith.constant 0 : i32
      %dma_wait3A_18 = tpu.memref_slice %arg10[%mul3A_8, %dma_wait3A_17] : memref<10240x128xf32, #tpu.memory_space<vmem_shared>> -> memref<640x128xf32, #tpu.memory_space<vmem_shared>>
      tpu.wait_dma2 semaphore(%run_scoped3A : memref<!tpu.dma_semaphore, #tpu.memory_space<semaphore_mem>>) src(%dma_wait3A_18 : memref<640x128xf32, #tpu.memory_space<vmem_shared>>) dst(%dma_wait3A_16 : memref<640x128xf32, #tpu.memory_space<hbm>>)
      tpu.yield
    }) : () -> ()
    return
  }
}

#map = affine_map<(d0, d1) -> (0, 0)>
#map1 = affine_map<(d0, d1) -> (0, 0, 0, 0)>
#map2 = affine_map<(d0, d1) -> (0, 0, 0)>
module attributes {stable_mosaic.version = 14 : i64} {
  func.func @_seg_body(%arg0: i32, %arg1: i32, %arg2: memref<10240x128xf32, #tpu.memory_space<hbm>>, %arg3: memref<2x16x79x128xi32, #tpu.memory_space<hbm>>, %arg4: memref<2x16x79x128xi32, #tpu.memory_space<hbm>>, %arg5: memref<640x128xf32, #tpu.memory_space<hbm>>, %arg6: memref<2x10240x128xf32, #tpu.memory_space<hbm>>, %arg7: memref<79x128xi32, #tpu.memory_space<vmem>>, %arg8: memref<79x128xi32, #tpu.memory_space<vmem>>, %arg9: memref<128x128xf32, #tpu.memory_space<vmem>>, %arg10: memref<10240x128xf32, #tpu.memory_space<vmem_shared>>) attributes {dimension_semantics = [#tpu.dimension_semantics<core_parallel>, #tpu.dimension_semantics<subcore_parallel>], iteration_bounds = array<i64: 2, 16>, scalar_prefetch = 0 : i64, scratch_operands = 4 : i64, tpu.core_type = #tpu.core_type<sc_vector_subcore>, window_params = [{transform_indices = #map}, {transform_indices = #map1}, {transform_indices = #map1}, {transform_indices = #map}, {transform_indices = #map2}]} {
    "tpu.region"() ({
      %run_scoped3A = tpu.sem_alloc : memref<!tpu.dma_semaphore, #tpu.memory_space<semaphore_mem>>
      %dma_start3A = arith.constant 0 : i32
      %dma_start3A_11 = arith.constant 0 : i32
      %dma_start3A_12 = tpu.memref_slice %arg3[%arg0, %arg1, %dma_start3A, %dma_start3A_11] : memref<2x16x79x128xi32, #tpu.memory_space<hbm>> -> memref<1x1x79x128xi32, #tpu.memory_space<hbm>>
      %dma_start3A_13 = tpu.memref_squeeze %dma_start3A_12 : memref<1x1x79x128xi32, #tpu.memory_space<hbm>> -> memref<79x128xi32, #tpu.memory_space<hbm>>
      %dma_start3A_14 = arith.constant 0 : i32
      %dma_start3A_15 = arith.constant 0 : i32
      %dma_start3A_16 = tpu.memref_slice %arg3[%arg0, %arg1, %dma_start3A_14, %dma_start3A_15] : memref<2x16x79x128xi32, #tpu.memory_space<hbm>> -> memref<1x1x79x128xi32, #tpu.memory_space<hbm>>
      %dma_start3A_17 = tpu.memref_squeeze %dma_start3A_16 : memref<1x1x79x128xi32, #tpu.memory_space<hbm>> -> memref<79x128xi32, #tpu.memory_space<hbm>>
      tpu.enqueue_dma source(%dma_start3A_17 : memref<79x128xi32, #tpu.memory_space<hbm>>) target(%arg7 : memref<79x128xi32, #tpu.memory_space<vmem>>) target_semaphore(%run_scoped3A : memref<!tpu.dma_semaphore, #tpu.memory_space<semaphore_mem>>)
      %dma_wait3A = arith.constant 0 : i32
      %dma_wait3A_18 = arith.constant 0 : i32
      %dma_wait3A_19 = tpu.memref_slice %arg3[%arg0, %arg1, %dma_wait3A, %dma_wait3A_18] : memref<2x16x79x128xi32, #tpu.memory_space<hbm>> -> memref<1x1x79x128xi32, #tpu.memory_space<hbm>>
      %dma_wait3A_20 = tpu.memref_squeeze %dma_wait3A_19 : memref<1x1x79x128xi32, #tpu.memory_space<hbm>> -> memref<79x128xi32, #tpu.memory_space<hbm>>
      %dma_wait3A_21 = arith.constant 0 : i32
      %dma_wait3A_22 = arith.constant 0 : i32
      %dma_wait3A_23 = tpu.memref_slice %arg3[%arg0, %arg1, %dma_wait3A_21, %dma_wait3A_22] : memref<2x16x79x128xi32, #tpu.memory_space<hbm>> -> memref<1x1x79x128xi32, #tpu.memory_space<hbm>>
      %dma_wait3A_24 = tpu.memref_squeeze %dma_wait3A_23 : memref<1x1x79x128xi32, #tpu.memory_space<hbm>> -> memref<79x128xi32, #tpu.memory_space<hbm>>
      tpu.wait_dma2 semaphore(%run_scoped3A : memref<!tpu.dma_semaphore, #tpu.memory_space<semaphore_mem>>) src(%dma_wait3A_24 : memref<79x128xi32, #tpu.memory_space<hbm>>) dst(%arg7 : memref<79x128xi32, #tpu.memory_space<vmem>>)
      tpu.yield
    }) : () -> ()
    "tpu.region"() ({
      %run_scoped3A = tpu.sem_alloc : memref<!tpu.dma_semaphore, #tpu.memory_space<semaphore_mem>>
      %dma_start3A = arith.constant 0 : i32
      %dma_start3A_11 = arith.constant 0 : i32
      %dma_start3A_12 = tpu.memref_slice %arg4[%arg0, %arg1, %dma_start3A, %dma_start3A_11] : memref<2x16x79x128xi32, #tpu.memory_space<hbm>> -> memref<1x1x79x128xi32, #tpu.memory_space<hbm>>
      %dma_start3A_13 = tpu.memref_squeeze %dma_start3A_12 : memref<1x1x79x128xi32, #tpu.memory_space<hbm>> -> memref<79x128xi32, #tpu.memory_space<hbm>>
      %dma_start3A_14 = arith.constant 0 : i32
      %dma_start3A_15 = arith.constant 0 : i32
      %dma_start3A_16 = tpu.memref_slice %arg4[%arg0, %arg1, %dma_start3A_14, %dma_start3A_15] : memref<2x16x79x128xi32, #tpu.memory_space<hbm>> -> memref<1x1x79x128xi32, #tpu.memory_space<hbm>>
      %dma_start3A_17 = tpu.memref_squeeze %dma_start3A_16 : memref<1x1x79x128xi32, #tpu.memory_space<hbm>> -> memref<79x128xi32, #tpu.memory_space<hbm>>
      tpu.enqueue_dma source(%dma_start3A_17 : memref<79x128xi32, #tpu.memory_space<hbm>>) target(%arg8 : memref<79x128xi32, #tpu.memory_space<vmem>>) target_semaphore(%run_scoped3A : memref<!tpu.dma_semaphore, #tpu.memory_space<semaphore_mem>>)
      %dma_wait3A = arith.constant 0 : i32
      %dma_wait3A_18 = arith.constant 0 : i32
      %dma_wait3A_19 = tpu.memref_slice %arg4[%arg0, %arg1, %dma_wait3A, %dma_wait3A_18] : memref<2x16x79x128xi32, #tpu.memory_space<hbm>> -> memref<1x1x79x128xi32, #tpu.memory_space<hbm>>
      %dma_wait3A_20 = tpu.memref_squeeze %dma_wait3A_19 : memref<1x1x79x128xi32, #tpu.memory_space<hbm>> -> memref<79x128xi32, #tpu.memory_space<hbm>>
      %dma_wait3A_21 = arith.constant 0 : i32
      %dma_wait3A_22 = arith.constant 0 : i32
      %dma_wait3A_23 = tpu.memref_slice %arg4[%arg0, %arg1, %dma_wait3A_21, %dma_wait3A_22] : memref<2x16x79x128xi32, #tpu.memory_space<hbm>> -> memref<1x1x79x128xi32, #tpu.memory_space<hbm>>
      %dma_wait3A_24 = tpu.memref_squeeze %dma_wait3A_23 : memref<1x1x79x128xi32, #tpu.memory_space<hbm>> -> memref<79x128xi32, #tpu.memory_space<hbm>>
      tpu.wait_dma2 semaphore(%run_scoped3A : memref<!tpu.dma_semaphore, #tpu.memory_space<semaphore_mem>>) src(%dma_wait3A_24 : memref<79x128xi32, #tpu.memory_space<hbm>>) dst(%arg8 : memref<79x128xi32, #tpu.memory_space<vmem>>)
      tpu.yield
    }) : () -> ()
    %mul3A = arith.constant 640 : i32
    %mul3A_0 = arith.muli %arg1, %mul3A : i32
    "tpu.region"() ({
      %run_scoped3A = tpu.sem_alloc : memref<!tpu.dma_semaphore, #tpu.memory_space<semaphore_mem>>
      %dma_start3A = arith.constant 0 : i32
      %dma_start3A_11 = tpu.memref_slice %arg10[%mul3A_0, %dma_start3A] : memref<10240x128xf32, #tpu.memory_space<vmem_shared>> -> memref<640x128xf32, #tpu.memory_space<vmem_shared>>
      tpu.enqueue_dma source(%arg5 : memref<640x128xf32, #tpu.memory_space<hbm>>) target(%dma_start3A_11 : memref<640x128xf32, #tpu.memory_space<vmem_shared>>) target_semaphore(%run_scoped3A : memref<!tpu.dma_semaphore, #tpu.memory_space<semaphore_mem>>)
      %dma_wait3A = arith.constant 0 : i32
      %dma_wait3A_12 = tpu.memref_slice %arg10[%mul3A_0, %dma_wait3A] : memref<10240x128xf32, #tpu.memory_space<vmem_shared>> -> memref<640x128xf32, #tpu.memory_space<vmem_shared>>
      tpu.wait_dma2 semaphore(%run_scoped3A : memref<!tpu.dma_semaphore, #tpu.memory_space<semaphore_mem>>) src(%arg5 : memref<640x128xf32, #tpu.memory_space<hbm>>) dst(%dma_wait3A_12 : memref<640x128xf32, #tpu.memory_space<vmem_shared>>)
      tpu.yield
    }) : () -> ()
    %barrier3A = arith.constant 0 : index
    tpu.barrier barrier_id(%barrier3A)
    %scan3A = arith.constant 0 : i32
    %scan3A_1 = arith.constant 0 : i32
    %scan3A_2 = arith.constant 79 : i32
    %scan3A_3 = arith.addi %scan3A_1, %scan3A_2 : i32
    %scan3A_4 = arith.constant 1 : i32
    scf.for %scan3A_11 = %scan3A_1 to %scan3A_3 step %scan3A_4  : i32 {
      "tpu.region"() ({
        %run_scoped3A = tpu.sem_alloc : memref<!tpu.dma_semaphore, #tpu.memory_space<semaphore_mem>>
        %dma_start3A = arith.constant 0 : i32
        %dma_start3A_12 = tpu.memref_slice %arg7[%scan3A_11, %dma_start3A] : memref<79x128xi32, #tpu.memory_space<vmem>> -> memref<1x128xi32, #tpu.memory_space<vmem>>
        %dma_start3A_13 = tpu.memref_squeeze %dma_start3A_12 : memref<1x128xi32, #tpu.memory_space<vmem>> -> memref<128xi32, #tpu.memory_space<vmem>>
        %dma_start3A_14 = arith.constant 0 : i32
        %dma_start3A_15 = arith.constant 0 : i32
        %dma_start3A_16 = tpu.memref_slice %arg2[%dma_start3A_14, %dma_start3A_15] : memref<10240x128xf32, #tpu.memory_space<hbm>> -> memref<10240x128xf32, #tpu.memory_space<hbm>>
        tpu.enqueue_indirect_dma source(%dma_start3A_16 : memref<10240x128xf32, #tpu.memory_space<hbm>>) target(%arg9 : memref<128x128xf32, #tpu.memory_space<vmem>>) offsets(%dma_start3A_13 : memref<128xi32, #tpu.memory_space<vmem>>) semaphore(%run_scoped3A : memref<!tpu.dma_semaphore, #tpu.memory_space<semaphore_mem>>)
        %dma_wait3A = arith.constant 0 : i32
        %dma_wait3A_17 = tpu.memref_slice %arg7[%scan3A_11, %dma_wait3A] : memref<79x128xi32, #tpu.memory_space<vmem>> -> memref<1x128xi32, #tpu.memory_space<vmem>>
        %dma_wait3A_18 = tpu.memref_squeeze %dma_wait3A_17 : memref<1x128xi32, #tpu.memory_space<vmem>> -> memref<128xi32, #tpu.memory_space<vmem>>
        %dma_wait3A_19 = arith.constant 0 : i32
        %dma_wait3A_20 = arith.constant 0 : i32
        %dma_wait3A_21 = tpu.memref_slice %arg2[%dma_wait3A_19, %dma_wait3A_20] : memref<10240x128xf32, #tpu.memory_space<hbm>> -> memref<10240x128xf32, #tpu.memory_space<hbm>>
        tpu.wait_indirect_dma semaphore(%run_scoped3A : memref<!tpu.dma_semaphore, #tpu.memory_space<semaphore_mem>>) src(%dma_wait3A_21 : memref<10240x128xf32, #tpu.memory_space<hbm>>) dst(%arg9 : memref<128x128xf32, #tpu.memory_space<vmem>>)
        tpu.yield
      }) : () -> ()
      "tpu.region"() ({
        %run_scoped3A = tpu.sem_alloc : memref<!tpu.dma_semaphore, #tpu.memory_space<semaphore_mem>>
        %dma_start3A = arith.constant 0 : i32
        %dma_start3A_12 = tpu.memref_slice %arg8[%scan3A_11, %dma_start3A] : memref<79x128xi32, #tpu.memory_space<vmem>> -> memref<1x128xi32, #tpu.memory_space<vmem>>
        %dma_start3A_13 = tpu.memref_squeeze %dma_start3A_12 : memref<1x128xi32, #tpu.memory_space<vmem>> -> memref<128xi32, #tpu.memory_space<vmem>>
        %dma_start3A_14 = arith.constant 0 : i32
        %dma_start3A_15 = arith.constant 0 : i32
        %dma_start3A_16 = tpu.memref_slice %arg10[%dma_start3A_14, %dma_start3A_15] : memref<10240x128xf32, #tpu.memory_space<vmem_shared>> -> memref<10240x128xf32, #tpu.memory_space<vmem_shared>>
        tpu.enqueue_indirect_dma source(%arg9 : memref<128x128xf32, #tpu.memory_space<vmem>>) target(%dma_start3A_16 : memref<10240x128xf32, #tpu.memory_space<vmem_shared>>) offsets(%dma_start3A_13 : memref<128xi32, #tpu.memory_space<vmem>>) semaphore(%run_scoped3A : memref<!tpu.dma_semaphore, #tpu.memory_space<semaphore_mem>>) {add = true}
        %dma_wait3A = arith.constant 0 : i32
        %dma_wait3A_17 = tpu.memref_slice %arg8[%scan3A_11, %dma_wait3A] : memref<79x128xi32, #tpu.memory_space<vmem>> -> memref<1x128xi32, #tpu.memory_space<vmem>>
        %dma_wait3A_18 = tpu.memref_squeeze %dma_wait3A_17 : memref<1x128xi32, #tpu.memory_space<vmem>> -> memref<128xi32, #tpu.memory_space<vmem>>
        %dma_wait3A_19 = arith.constant 0 : i32
        %dma_wait3A_20 = arith.constant 0 : i32
        %dma_wait3A_21 = tpu.memref_slice %arg10[%dma_wait3A_19, %dma_wait3A_20] : memref<10240x128xf32, #tpu.memory_space<vmem_shared>> -> memref<10240x128xf32, #tpu.memory_space<vmem_shared>>
        tpu.wait_indirect_dma semaphore(%run_scoped3A : memref<!tpu.dma_semaphore, #tpu.memory_space<semaphore_mem>>) src(%arg9 : memref<128x128xf32, #tpu.memory_space<vmem>>) dst(%dma_wait3A_21 : memref<10240x128xf32, #tpu.memory_space<vmem_shared>>)
        tpu.yield
      }) : () -> ()
    }
    %scan3A_5 = arith.constant 79 : i32
    %barrier3A_6 = arith.constant 0 : index
    tpu.barrier barrier_id(%barrier3A_6)
    %mul3A_7 = arith.constant 640 : i32
    %mul3A_8 = arith.muli %arg1, %mul3A_7 : i32
    %mul3A_9 = arith.constant 640 : i32
    %mul3A_10 = arith.muli %arg1, %mul3A_9 : i32
    "tpu.region"() ({
      %run_scoped3A = tpu.sem_alloc : memref<!tpu.dma_semaphore, #tpu.memory_space<semaphore_mem>>
      %dma_start3A = arith.constant 0 : i32
      %dma_start3A_11 = tpu.memref_slice %arg6[%arg0, %mul3A_10, %dma_start3A] : memref<2x10240x128xf32, #tpu.memory_space<hbm>> -> memref<1x640x128xf32, #tpu.memory_space<hbm>>
      %dma_start3A_12 = tpu.memref_squeeze %dma_start3A_11 : memref<1x640x128xf32, #tpu.memory_space<hbm>> -> memref<640x128xf32, #tpu.memory_space<hbm>>
      %dma_start3A_13 = arith.constant 0 : i32
      %dma_start3A_14 = tpu.memref_slice %arg10[%mul3A_8, %dma_start3A_13] : memref<10240x128xf32, #tpu.memory_space<vmem_shared>> -> memref<640x128xf32, #tpu.memory_space<vmem_shared>>
      tpu.enqueue_dma source(%dma_start3A_14 : memref<640x128xf32, #tpu.memory_space<vmem_shared>>) target(%dma_start3A_12 : memref<640x128xf32, #tpu.memory_space<hbm>>) target_semaphore(%run_scoped3A : memref<!tpu.dma_semaphore, #tpu.memory_space<semaphore_mem>>)
      %dma_wait3A = arith.constant 0 : i32
      %dma_wait3A_15 = tpu.memref_slice %arg6[%arg0, %mul3A_10, %dma_wait3A] : memref<2x10240x128xf32, #tpu.memory_space<hbm>> -> memref<1x640x128xf32, #tpu.memory_space<hbm>>
      %dma_wait3A_16 = tpu.memref_squeeze %dma_wait3A_15 : memref<1x640x128xf32, #tpu.memory_space<hbm>> -> memref<640x128xf32, #tpu.memory_space<hbm>>
      %dma_wait3A_17 = arith.constant 0 : i32
      %dma_wait3A_18 = tpu.memref_slice %arg10[%mul3A_8, %dma_wait3A_17] : memref<10240x128xf32, #tpu.memory_space<vmem_shared>> -> memref<640x128xf32, #tpu.memory_space<vmem_shared>>
      tpu.wait_dma2 semaphore(%run_scoped3A : memref<!tpu.dma_semaphore, #tpu.memory_space<semaphore_mem>>) src(%dma_wait3A_18 : memref<640x128xf32, #tpu.memory_space<vmem_shared>>) dst(%dma_wait3A_16 : memref<640x128xf32, #tpu.memory_space<hbm>>)
      tpu.yield
    }) : () -> ()
    return
  }
}

module attributes {stable_mosaic.version = 14 : i64} {
  func.func @_tc0_body(%arg0: i32, %arg1: memref<512x128xf32, #tpu.memory_space<vmem>>, %arg2: memref<512x128xf32, #tpu.memory_space<vmem>>, %arg3: memref<512x128xf32, #tpu.memory_space<vmem>>, %arg4: memref<512x128xf32, #tpu.memory_space<vmem>>, %arg5: memref<512x128xf32, #tpu.memory_space<vmem>>, %arg6: memref<128x128xf32, #tpu.memory_space<vmem>>, %arg7: memref<128x128xf32, #tpu.memory_space<vmem>>, %arg8: memref<1x128xf32, #tpu.memory_space<vmem>>, %arg9: memref<512x128xf32, #tpu.memory_space<vmem>>, %arg10: memref<512x16xf32, #tpu.memory_space<vmem>>) attributes {dimension_semantics = [#tpu.dimension_semantics<arbitrary>], iteration_bounds = array<i64: 20>, scalar_prefetch = 0 : i64, scratch_operands = 0 : i64, tpu.core_type = #tpu.core_type<tc>, window_params = [{transform_indices = @transform_0, window_bounds = array<i64: 512, 128>}, {transform_indices = @transform_1, window_bounds = array<i64: 512, 128>}, {transform_indices = @transform_2, window_bounds = array<i64: 512, 128>}, {transform_indices = @transform_3, window_bounds = array<i64: 512, 128>}, {transform_indices = @transform_4, window_bounds = array<i64: 512, 128>}, {pipeline_mode = #tpu.pipeline_mode<synchronous>, transform_indices = @transform_5, window_bounds = array<i64: 128, 128>}, {pipeline_mode = #tpu.pipeline_mode<synchronous>, transform_indices = @transform_6, window_bounds = array<i64: 128, 128>}, {pipeline_mode = #tpu.pipeline_mode<synchronous>, transform_indices = @transform_7, window_bounds = array<i64: 1, 128>}, {transform_indices = @transform_8, window_bounds = array<i64: 512, 128>}, {transform_indices = @transform_9, window_bounds = array<i64: 512, 16>}]} {
    %get3A = arith.constant 0 : index
    %get3A_0 = arith.constant 0 : index
    %get3A_1 = vector.load %arg4[%get3A, %get3A_0] : memref<512x128xf32, #tpu.memory_space<vmem>>, vector<512x1xf32>
    %get3A_2 = arith.constant 0 : index
    %get3A_3 = arith.constant 0 : index
    %get3A_4 = vector.load %arg5[%get3A_2, %get3A_3] : memref<512x128xf32, #tpu.memory_space<vmem>>, vector<512x1xf32>
    %add3A = arith.addf %get3A_1, %get3A_4 : vector<512x1xf32>
    %max3A = arith.constant 1.000000e+00 : f32
    %max3A_5 = vector.broadcast %max3A : f32 to vector<512x1xf32>
    %max3A_6 = arith.maximumf %add3A, %max3A_5 : vector<512x1xf32>
    %div3A = arith.constant 1.000000e+00 : f32
    %div3A_7 = vector.broadcast %div3A : f32 to vector<512x1xf32>
    %div3A_8 = arith.divf %div3A_7, %max3A_6 : vector<512x1xf32>
    %broadcast_in_dim3A = vector.shape_cast %div3A_8 : vector<512x1xf32> to vector<512x1xf32>
    %broadcast_in_dim3A_9 = vector.broadcast %broadcast_in_dim3A : vector<512x1xf32> to vector<512x16xf32>
    %swap3A = arith.constant 0 : index
    %swap3A_10 = arith.constant 0 : index
    %swap3A_11 = vector.load %arg10[%swap3A, %swap3A_10] : memref<512x16xf32, #tpu.memory_space<vmem>>, vector<512x16xf32>
    tpu.vector_store %arg10[%swap3A, %swap3A_10], %broadcast_in_dim3A_9 {strides = array<i32>} : memref<512x16xf32, #tpu.memory_space<vmem>>, vector<512x16xf32>,
    %get3A_12 = arith.constant 0 : index
    %get3A_13 = arith.constant 0 : index
    %get3A_14 = vector.load %arg2[%get3A_12, %get3A_13] : memref<512x128xf32, #tpu.memory_space<vmem>>, vector<512x128xf32>
    %get3A_15 = arith.constant 0 : index
    %get3A_16 = arith.constant 0 : index
    %get3A_17 = vector.load %arg3[%get3A_15, %get3A_16] : memref<512x128xf32, #tpu.memory_space<vmem>>, vector<512x128xf32>
    %add3A_18 = arith.addf %get3A_14, %get3A_17 : vector<512x128xf32>
    %mul3A = vector.broadcast %div3A_8 : vector<512x1xf32> to vector<512x128xf32>
    %mul3A_19 = arith.mulf %add3A_18, %mul3A : vector<512x128xf32>
    %get3A_20 = arith.constant 0 : index
    %get3A_21 = arith.constant 0 : index
    %get3A_22 = vector.load %arg1[%get3A_20, %get3A_21] : memref<512x128xf32, #tpu.memory_space<vmem>>, vector<512x128xf32>
    %get3A_23 = arith.constant 0 : index
    %get3A_24 = arith.constant 0 : index
    %get3A_25 = vector.load %arg6[%get3A_23, %get3A_24] : memref<128x128xf32, #tpu.memory_space<vmem>>, vector<128x128xf32>
    %dot_general3A = arith.constant dense<0.000000e+00> : vector<512x128xf32>
    %dot_general3A_26 = tpu.matmul %get3A_22, %get3A_25, %dot_general3A {dimension_numbers = #tpu.dot_dimension_numbers<[1], [0], [0], [1], [0, 0, 1, 1], [], []>, transpose_lhs_hint = false} : vector<512x128xf32>, vector<128x128xf32>, vector<512x128xf32> -> vector<512x128xf32>
    %get3A_27 = arith.constant 0 : index
    %get3A_28 = arith.constant 0 : index
    %get3A_29 = vector.load %arg7[%get3A_27, %get3A_28] : memref<128x128xf32, #tpu.memory_space<vmem>>, vector<128x128xf32>
    %dot_general3A_30 = arith.constant dense<0.000000e+00> : vector<512x128xf32>
    %dot_general3A_31 = tpu.matmul %mul3A_19, %get3A_29, %dot_general3A_30 {dimension_numbers = #tpu.dot_dimension_numbers<[1], [0], [0], [1], [0, 0, 1, 1], [], []>, transpose_lhs_hint = false} : vector<512x128xf32>, vector<128x128xf32>, vector<512x128xf32> -> vector<512x128xf32>
    %add3A_32 = arith.addf %dot_general3A_26, %dot_general3A_31 : vector<512x128xf32>
    %get3A_33 = arith.constant 0 : index
    %get3A_34 = arith.constant 0 : index
    %get3A_35 = vector.load %arg8[%get3A_33, %get3A_34] : memref<1x128xf32, #tpu.memory_space<vmem>>, vector<1x128xf32>
    %add3A_36 = vector.broadcast %get3A_35 : vector<1x128xf32> to vector<512x128xf32>
    %add3A_37 = arith.addf %add3A_32, %add3A_36 : vector<512x128xf32>
    %max3A_38 = arith.constant 0.000000e+00 : f32
    %max3A_39 = vector.broadcast %max3A_38 : f32 to vector<512x128xf32>
    %max3A_40 = arith.maximumf %add3A_37, %max3A_39 : vector<512x128xf32>
    %swap3A_41 = arith.constant 0 : index
    %swap3A_42 = arith.constant 0 : index
    %swap3A_43 = vector.load %arg9[%swap3A_41, %swap3A_42] : memref<512x128xf32, #tpu.memory_space<vmem>>, vector<512x128xf32>
    tpu.vector_store %arg9[%swap3A_41, %swap3A_42], %max3A_40 {strides = array<i32>} : memref<512x128xf32, #tpu.memory_space<vmem>>, vector<512x128xf32>,
    return
  }
  func.func @transform_0(%arg0: i32) -> (i32, i32) {
    %c0_i32 = arith.constant 0 : i32
    %c0_i32_0 = arith.constant 0 : i32
    return %arg0, %c0_i32 : i32, i32
  }
  func.func @transform_1(%arg0: i32) -> (i32, i32) {
    %c0_i32 = arith.constant 0 : i32
    %c0_i32_0 = arith.constant 0 : i32
    return %arg0, %c0_i32 : i32, i32
  }
  func.func @transform_2(%arg0: i32) -> (i32, i32) {
    %c0_i32 = arith.constant 0 : i32
    %c0_i32_0 = arith.constant 0 : i32
    return %arg0, %c0_i32 : i32, i32
  }
  func.func @transform_3(%arg0: i32) -> (i32, i32) {
    %c0_i32 = arith.constant 0 : i32
    %c0_i32_0 = arith.constant 0 : i32
    return %arg0, %c0_i32 : i32, i32
  }
  func.func @transform_4(%arg0: i32) -> (i32, i32) {
    %c0_i32 = arith.constant 0 : i32
    %c0_i32_0 = arith.constant 0 : i32
    return %arg0, %c0_i32 : i32, i32
  }
  func.func @transform_5(%arg0: i32) -> (i32, i32) {
    %c0_i32 = arith.constant 0 : i32
    %c0_i32_0 = arith.constant 0 : i32
    %c0_i32_1 = arith.constant 0 : i32
    return %c0_i32, %c0_i32_0 : i32, i32
  }
  func.func @transform_6(%arg0: i32) -> (i32, i32) {
    %c0_i32 = arith.constant 0 : i32
    %c0_i32_0 = arith.constant 0 : i32
    %c0_i32_1 = arith.constant 0 : i32
    return %c0_i32, %c0_i32_0 : i32, i32
  }
  func.func @transform_7(%arg0: i32) -> (i32, i32) {
    %c0_i32 = arith.constant 0 : i32
    %c0_i32_0 = arith.constant 0 : i32
    %c0_i32_1 = arith.constant 0 : i32
    return %c0_i32, %c0_i32_0 : i32, i32
  }
  func.func @transform_8(%arg0: i32) -> (i32, i32) {
    %c0_i32 = arith.constant 0 : i32
    %c0_i32_0 = arith.constant 0 : i32
    return %arg0, %c0_i32 : i32, i32
  }
  func.func @transform_9(%arg0: i32) -> (i32, i32) {
    %c0_i32 = arith.constant 0 : i32
    %c0_i32_0 = arith.constant 0 : i32
    return %arg0, %c0_i32 : i32, i32
  }
}

module attributes {stable_mosaic.version = 14 : i64} {
  func.func @body(%arg0: i32, %arg1: memref<512x128xf32, #tpu.memory_space<vmem>>, %arg2: memref<512x128xf32, #tpu.memory_space<vmem>>, %arg3: memref<512x128xf32, #tpu.memory_space<vmem>>, %arg4: memref<512x16xf32, #tpu.memory_space<vmem>>, %arg5: memref<128x128xf32, #tpu.memory_space<vmem>>, %arg6: memref<128x128xf32, #tpu.memory_space<vmem>>, %arg7: memref<1x128xf32, #tpu.memory_space<vmem>>, %arg8: memref<512x128xf32, #tpu.memory_space<vmem>>) attributes {dimension_semantics = [#tpu.dimension_semantics<arbitrary>], iteration_bounds = array<i64: 20>, scalar_prefetch = 0 : i64, scratch_operands = 0 : i64, tpu.core_type = #tpu.core_type<tc>, window_params = [{transform_indices = @transform_0, window_bounds = array<i64: 512, 128>}, {transform_indices = @transform_1, window_bounds = array<i64: 512, 128>}, {transform_indices = @transform_2, window_bounds = array<i64: 512, 128>}, {transform_indices = @transform_3, window_bounds = array<i64: 512, 16>}, {pipeline_mode = #tpu.pipeline_mode<synchronous>, transform_indices = @transform_4, window_bounds = array<i64: 128, 128>}, {pipeline_mode = #tpu.pipeline_mode<synchronous>, transform_indices = @transform_5, window_bounds = array<i64: 128, 128>}, {pipeline_mode = #tpu.pipeline_mode<synchronous>, transform_indices = @transform_6, window_bounds = array<i64: 1, 128>}, {transform_indices = @transform_7, window_bounds = array<i64: 512, 128>}]} {
    %get3A = arith.constant 0 : index
    %get3A_0 = arith.constant 0 : index
    %get3A_1 = vector.load %arg2[%get3A, %get3A_0] : memref<512x128xf32, #tpu.memory_space<vmem>>, vector<512x128xf32>
    %get3A_2 = arith.constant 0 : index
    %get3A_3 = arith.constant 0 : index
    %get3A_4 = vector.load %arg3[%get3A_2, %get3A_3] : memref<512x128xf32, #tpu.memory_space<vmem>>, vector<512x128xf32>
    %add3A = arith.addf %get3A_1, %get3A_4 : vector<512x128xf32>
    %get3A_5 = arith.constant 0 : index
    %get3A_6 = arith.constant 0 : index
    %get3A_7 = vector.load %arg4[%get3A_5, %get3A_6] : memref<512x16xf32, #tpu.memory_space<vmem>>, vector<512x1xf32>
    %mul3A = vector.broadcast %get3A_7 : vector<512x1xf32> to vector<512x128xf32>
    %mul3A_8 = arith.mulf %add3A, %mul3A : vector<512x128xf32>
    %get3A_9 = arith.constant 0 : index
    %get3A_10 = arith.constant 0 : index
    %get3A_11 = vector.load %arg1[%get3A_9, %get3A_10] : memref<512x128xf32, #tpu.memory_space<vmem>>, vector<512x128xf32>
    %get3A_12 = arith.constant 0 : index
    %get3A_13 = arith.constant 0 : index
    %get3A_14 = vector.load %arg5[%get3A_12, %get3A_13] : memref<128x128xf32, #tpu.memory_space<vmem>>, vector<128x128xf32>
    %dot_general3A = arith.constant dense<0.000000e+00> : vector<512x128xf32>
    %dot_general3A_15 = tpu.matmul %get3A_11, %get3A_14, %dot_general3A {dimension_numbers = #tpu.dot_dimension_numbers<[1], [0], [0], [1], [0, 0, 1, 1], [], []>, transpose_lhs_hint = false} : vector<512x128xf32>, vector<128x128xf32>, vector<512x128xf32> -> vector<512x128xf32>
    %get3A_16 = arith.constant 0 : index
    %get3A_17 = arith.constant 0 : index
    %get3A_18 = vector.load %arg6[%get3A_16, %get3A_17] : memref<128x128xf32, #tpu.memory_space<vmem>>, vector<128x128xf32>
    %dot_general3A_19 = arith.constant dense<0.000000e+00> : vector<512x128xf32>
    %dot_general3A_20 = tpu.matmul %mul3A_8, %get3A_18, %dot_general3A_19 {dimension_numbers = #tpu.dot_dimension_numbers<[1], [0], [0], [1], [0, 0, 1, 1], [], []>, transpose_lhs_hint = false} : vector<512x128xf32>, vector<128x128xf32>, vector<512x128xf32> -> vector<512x128xf32>
    %add3A_21 = arith.addf %dot_general3A_15, %dot_general3A_20 : vector<512x128xf32>
    %get3A_22 = arith.constant 0 : index
    %get3A_23 = arith.constant 0 : index
    %get3A_24 = vector.load %arg7[%get3A_22, %get3A_23] : memref<1x128xf32, #tpu.memory_space<vmem>>, vector<1x128xf32>
    %add3A_25 = vector.broadcast %get3A_24 : vector<1x128xf32> to vector<512x128xf32>
    %add3A_26 = arith.addf %add3A_21, %add3A_25 : vector<512x128xf32>
    %max3A = arith.constant 0.000000e+00 : f32
    %max3A_27 = vector.broadcast %max3A : f32 to vector<512x128xf32>
    %max3A_28 = arith.maximumf %add3A_26, %max3A_27 : vector<512x128xf32>
    %swap3A = arith.constant 0 : index
    %swap3A_29 = arith.constant 0 : index
    %swap3A_30 = vector.load %arg8[%swap3A, %swap3A_29] : memref<512x128xf32, #tpu.memory_space<vmem>>, vector<512x128xf32>
    tpu.vector_store %arg8[%swap3A, %swap3A_29], %max3A_28 {strides = array<i32>} : memref<512x128xf32, #tpu.memory_space<vmem>>, vector<512x128xf32>,
    return
  }
  func.func @transform_0(%arg0: i32) -> (i32, i32) {
    %c0_i32 = arith.constant 0 : i32
    %c0_i32_0 = arith.constant 0 : i32
    return %arg0, %c0_i32 : i32, i32
  }
  func.func @transform_1(%arg0: i32) -> (i32, i32) {
    %c0_i32 = arith.constant 0 : i32
    %c0_i32_0 = arith.constant 0 : i32
    return %arg0, %c0_i32 : i32, i32
  }
  func.func @transform_2(%arg0: i32) -> (i32, i32) {
    %c0_i32 = arith.constant 0 : i32
    %c0_i32_0 = arith.constant 0 : i32
    return %arg0, %c0_i32 : i32, i32
  }
  func.func @transform_3(%arg0: i32) -> (i32, i32) {
    %c0_i32 = arith.constant 0 : i32
    %c0_i32_0 = arith.constant 0 : i32
    return %arg0, %c0_i32 : i32, i32
  }
  func.func @transform_4(%arg0: i32) -> (i32, i32) {
    %c0_i32 = arith.constant 0 : i32
    %c0_i32_0 = arith.constant 0 : i32
    %c0_i32_1 = arith.constant 0 : i32
    return %c0_i32, %c0_i32_0 : i32, i32
  }
  func.func @transform_5(%arg0: i32) -> (i32, i32) {
    %c0_i32 = arith.constant 0 : i32
    %c0_i32_0 = arith.constant 0 : i32
    %c0_i32_1 = arith.constant 0 : i32
    return %c0_i32, %c0_i32_0 : i32, i32
  }
  func.func @transform_6(%arg0: i32) -> (i32, i32) {
    %c0_i32 = arith.constant 0 : i32
    %c0_i32_0 = arith.constant 0 : i32
    %c0_i32_1 = arith.constant 0 : i32
    return %c0_i32, %c0_i32_0 : i32, i32
  }
  func.func @transform_7(%arg0: i32) -> (i32, i32) {
    %c0_i32 = arith.constant 0 : i32
    %c0_i32_0 = arith.constant 0 : i32
    return %arg0, %c0_i32 : i32, i32
  }
}

module attributes {stable_mosaic.version = 14 : i64} {
  func.func @body(%arg0: i32, %arg1: memref<512x128xf32, #tpu.memory_space<vmem>>, %arg2: memref<512x128xf32, #tpu.memory_space<vmem>>, %arg3: memref<512x128xf32, #tpu.memory_space<vmem>>, %arg4: memref<512x16xf32, #tpu.memory_space<vmem>>, %arg5: memref<128x128xf32, #tpu.memory_space<vmem>>, %arg6: memref<128x128xf32, #tpu.memory_space<vmem>>, %arg7: memref<1x128xf32, #tpu.memory_space<vmem>>, %arg8: memref<512x128xf32, #tpu.memory_space<vmem>>) attributes {dimension_semantics = [#tpu.dimension_semantics<arbitrary>], iteration_bounds = array<i64: 20>, scalar_prefetch = 0 : i64, scratch_operands = 0 : i64, tpu.core_type = #tpu.core_type<tc>, window_params = [{transform_indices = @transform_0, window_bounds = array<i64: 512, 128>}, {transform_indices = @transform_1, window_bounds = array<i64: 512, 128>}, {transform_indices = @transform_2, window_bounds = array<i64: 512, 128>}, {transform_indices = @transform_3, window_bounds = array<i64: 512, 16>}, {pipeline_mode = #tpu.pipeline_mode<synchronous>, transform_indices = @transform_4, window_bounds = array<i64: 128, 128>}, {pipeline_mode = #tpu.pipeline_mode<synchronous>, transform_indices = @transform_5, window_bounds = array<i64: 128, 128>}, {pipeline_mode = #tpu.pipeline_mode<synchronous>, transform_indices = @transform_6, window_bounds = array<i64: 1, 128>}, {transform_indices = @transform_7, window_bounds = array<i64: 512, 128>}]} {
    %get3A = arith.constant 0 : index
    %get3A_0 = arith.constant 0 : index
    %get3A_1 = vector.load %arg2[%get3A, %get3A_0] : memref<512x128xf32, #tpu.memory_space<vmem>>, vector<512x128xf32>
    %get3A_2 = arith.constant 0 : index
    %get3A_3 = arith.constant 0 : index
    %get3A_4 = vector.load %arg3[%get3A_2, %get3A_3] : memref<512x128xf32, #tpu.memory_space<vmem>>, vector<512x128xf32>
    %add3A = arith.addf %get3A_1, %get3A_4 : vector<512x128xf32>
    %get3A_5 = arith.constant 0 : index
    %get3A_6 = arith.constant 0 : index
    %get3A_7 = vector.load %arg4[%get3A_5, %get3A_6] : memref<512x16xf32, #tpu.memory_space<vmem>>, vector<512x1xf32>
    %mul3A = vector.broadcast %get3A_7 : vector<512x1xf32> to vector<512x128xf32>
    %mul3A_8 = arith.mulf %add3A, %mul3A : vector<512x128xf32>
    %get3A_9 = arith.constant 0 : index
    %get3A_10 = arith.constant 0 : index
    %get3A_11 = vector.load %arg1[%get3A_9, %get3A_10] : memref<512x128xf32, #tpu.memory_space<vmem>>, vector<512x128xf32>
    %get3A_12 = arith.constant 0 : index
    %get3A_13 = arith.constant 0 : index
    %get3A_14 = vector.load %arg5[%get3A_12, %get3A_13] : memref<128x128xf32, #tpu.memory_space<vmem>>, vector<128x128xf32>
    %dot_general3A = arith.constant dense<0.000000e+00> : vector<512x128xf32>
    %dot_general3A_15 = tpu.matmul %get3A_11, %get3A_14, %dot_general3A {dimension_numbers = #tpu.dot_dimension_numbers<[1], [0], [0], [1], [0, 0, 1, 1], [], []>, transpose_lhs_hint = false} : vector<512x128xf32>, vector<128x128xf32>, vector<512x128xf32> -> vector<512x128xf32>
    %get3A_16 = arith.constant 0 : index
    %get3A_17 = arith.constant 0 : index
    %get3A_18 = vector.load %arg6[%get3A_16, %get3A_17] : memref<128x128xf32, #tpu.memory_space<vmem>>, vector<128x128xf32>
    %dot_general3A_19 = arith.constant dense<0.000000e+00> : vector<512x128xf32>
    %dot_general3A_20 = tpu.matmul %mul3A_8, %get3A_18, %dot_general3A_19 {dimension_numbers = #tpu.dot_dimension_numbers<[1], [0], [0], [1], [0, 0, 1, 1], [], []>, transpose_lhs_hint = false} : vector<512x128xf32>, vector<128x128xf32>, vector<512x128xf32> -> vector<512x128xf32>
    %add3A_21 = arith.addf %dot_general3A_15, %dot_general3A_20 : vector<512x128xf32>
    %get3A_22 = arith.constant 0 : index
    %get3A_23 = arith.constant 0 : index
    %get3A_24 = vector.load %arg7[%get3A_22, %get3A_23] : memref<1x128xf32, #tpu.memory_space<vmem>>, vector<1x128xf32>
    %add3A_25 = vector.broadcast %get3A_24 : vector<1x128xf32> to vector<512x128xf32>
    %add3A_26 = arith.addf %add3A_21, %add3A_25 : vector<512x128xf32>
    %swap3A = arith.constant 0 : index
    %swap3A_27 = arith.constant 0 : index
    %swap3A_28 = vector.load %arg8[%swap3A, %swap3A_27] : memref<512x128xf32, #tpu.memory_space<vmem>>, vector<512x128xf32>
    tpu.vector_store %arg8[%swap3A, %swap3A_27], %add3A_26 {strides = array<i32>} : memref<512x128xf32, #tpu.memory_space<vmem>>, vector<512x128xf32>,
    return
  }
  func.func @transform_0(%arg0: i32) -> (i32, i32) {
    %c0_i32 = arith.constant 0 : i32
    %c0_i32_0 = arith.constant 0 : i32
    return %arg0, %c0_i32 : i32, i32
  }
  func.func @transform_1(%arg0: i32) -> (i32, i32) {
    %c0_i32 = arith.constant 0 : i32
    %c0_i32_0 = arith.constant 0 : i32
    return %arg0, %c0_i32 : i32, i32
  }
  func.func @transform_2(%arg0: i32) -> (i32, i32) {
    %c0_i32 = arith.constant 0 : i32
    %c0_i32_0 = arith.constant 0 : i32
    return %arg0, %c0_i32 : i32, i32
  }
  func.func @transform_3(%arg0: i32) -> (i32, i32) {
    %c0_i32 = arith.constant 0 : i32
    %c0_i32_0 = arith.constant 0 : i32
    return %arg0, %c0_i32 : i32, i32
  }
  func.func @transform_4(%arg0: i32) -> (i32, i32) {
    %c0_i32 = arith.constant 0 : i32
    %c0_i32_0 = arith.constant 0 : i32
    %c0_i32_1 = arith.constant 0 : i32
    return %c0_i32, %c0_i32_0 : i32, i32
  }
  func.func @transform_5(%arg0: i32) -> (i32, i32) {
    %c0_i32 = arith.constant 0 : i32
    %c0_i32_0 = arith.constant 0 : i32
    %c0_i32_1 = arith.constant 0 : i32
    return %c0_i32, %c0_i32_0 : i32, i32
  }
  func.func @transform_6(%arg0: i32) -> (i32, i32) {
    %c0_i32 = arith.constant 0 : i32
    %c0_i32_0 = arith.constant 0 : i32
    %c0_i32_1 = arith.constant 0 : i32
    return %c0_i32, %c0_i32_0 : i32, i32
  }
  func.func @transform_7(%arg0: i32) -> (i32, i32) {
    %c0_i32 = arith.constant 0 : i32
    %c0_i32_0 = arith.constant 0 : i32
    return %arg0, %c0_i32 : i32, i32
  }
}

</mosaic_0001>

<sc_bundles>
// kernel: kernel.12.cloned.1.call-start
scs
__scs_entry_jumppad:
0x0: {  	(pc) =	sbr.rel $0x88, $3  }
0x1: {  	(tag) =	ssettag $0x0;
	lr =	simm.s32 $0x1  }
0x2: {  	[smem:$0x3F96] =	sst lr;
	_ =	strace $0xD0000000  }
0x3: {  	_ = 	snop  }
0x4: {  	_ = 	snop  }
0x5: {  	_ = 	snop  }
0x6: {  	_ = 	snop  }
0x7: {  	_ = 	snop  }
__scs_overlays_trampoline_lowered:
0x8: {  	[smem:$0x3FA5] =	sst s0  }
0x9: {  	[smem:$0x3FA6] =	sst s1  }
0xa: {  	[smem:$0x3FA7] =	sst s2  }
0xb: {  	[smem:$0x3FA8] =	sst s3  }
0xc: {  	[smem:$0x3FA9] =	sst s4  }
0xd: {  	[smem:$0x3FAA] =	sst s5  }
0xe: {  	[smem:$0x3FAB] =	sst s6  }
0xf: {  	[smem:$0x3FAC] =	sst s7  }
0x10: {  	[smem:$0x3FAD] =	sst s8  }
0x11: {  	[smem:$0x3FAE] =	sst s9;
	s0 =	simm.s32 @!p0 $0x0  }
0x12: {  	s1 =	sld [smem:$0x3F94];
	s0 =	simm.s32 @p0 $0x1  }
0x13: {  	[smem:$0x3FAF] =	sst s0;
	s0 =	simm.s32 @!p1 $0x0  }
0x14: {  	s2 =	sld [smem:$0x3F93];
	s0 =	simm.s32 @p1 $0x1  }
0x15: {  	[smem:$0x3FB0] =	sst s0;
	s0 =	simm.s32 @!p2 $0x0  }
0x16: {  	s3 =	sld [smem:$0x3FDB];
	s0 =	simm.s32 @p2 $0x1  }
0x17: {  	s4 =	simm.s32 $0x1BF5;
	[smem:$0x3FB2] =	sst s0  }
0x18: {  	s0 =	sld [smem:$0x3F95];
	_ =	swait.ge [sflag:s4], $0x0  }
0x19: {  	s7 =	sld [smem:$0x3F96]  }
0x1a: {  	s8 =	sadd.s32 $0xFFFFE003, lr  }
0x1b: {  	s9 =	sadd.s32 $0xFFFFFEF7, lr;
	s5 =	simm.s32 $0xFFFFFFFF;
	p2 =	slt.u32 s8, $0xFFFFF086  }
0x1c: {  	p1 =	slt.u32 s9, $0xF7A;
	s5 =	simm.s32 @!p2 $0x0  }
0x1d: {  	s5 =	simm.s32 @p1 $0x1;
	p0 =	seq.s32 s7, s2  }
0x1e: {  	s7 =	smul.u32 @!p0 $0xF7A, s2;
	p2 =	seq.s32 @!p0 s5, $0x0  }
0x1f: {  	s9 =	smul.u32 $0xF7A, s1;
	s8 =	simm.s32 @!p0 $0x1BF5;
	p2 =	por !p2, p0  }
0x20: {  	[sflag:s8] =	ssyncset.s32 @!p0 $0xFFFFF086;
	s6 =	sadd.s32 @!p0 s3, s7;
	s7 =	simm.s32 @!p0 $0x108  }
0x21: {  	s3 =	sadd.s32 s3, s9;
	s6 =	sadd.s32 @!p0 $0x88, s6;
	s7 =	simm.s32 @p2 $0x1082  }
0x22: {  	[simem:s7], [sflag:s8] =	dma.local @!p0 [hbm:s6], $0xF7A  }
0x23: {  	s9 =	sor.u32 $0xD0000000, s2;
	s6 =	simm.s32 $0x108;
	_ =	swait.ge @!p0 [sflag:s8], $0x0  }
0x24: {  	s3 =	sadd.s32 $0x88, s3;
	s6 =	simm.s32 @!p1 $0x1082;
	[sflag:s4] =	ssyncset.s32 $0xFFFFF086  }
0x25: {  	[simem:s6], [sflag:s4] =	dma.local [hbm:s3], $0xF7A  }
0x26: {  	[smem:$0x3F96] =	sst s1;
	(tag) =	ssettag s2;
	_ =	strace s9  }
0x27: {  	s1 =	sld [smem:$0x3FA6]  }
0x28: {  	s2 =	sld [smem:$0x3FA7]  }
0x29: {  	s4 =	sld [smem:$0x3FA9]  }
0x2a: {  	p0 =	seq.s32 s5, $0x0;
	s5 =	sld [smem:$0x3FAA]  }
0x2b: {  	s6 =	sld [smem:$0x3FAB]  }
0x2c: {  	s7 =	sld [smem:$0x3FAC]  }
0x2d: {  	s3 =	simm.s32 $0x108;
	s8 =	sld [smem:$0x3FAD]  }
0x2e: {  	s3 =	simm.s32 @!p0 $0x1082;
	s9 =	sld [smem:$0x3FAE]  }
0x2f: {  	lr =	sadd.s32 s0, s3;
	s0 =	sld [smem:$0x3FA5]  }
0x30: {  	s3 =	sld [smem:$0x3FA8]  }
0x31: {  	[smem:$0x3FB1] =	sst s10  }
0x32: {  	s10 =	sld [smem:$0x3FAF];
	_ =	sdelay $0x3  }
0x33: {  	p0 =	seq.s32 s10, $0x1;
	s10 =	sld [smem:$0x3FB1];
	_ =	sdelay $0x3  }
0x34: {  	[smem:$0x3FB1] =	sst s10  }
0x35: {  	s10 =	sld [smem:$0x3FB0];
	_ =	sdelay $0x3  }
0x36: {  	p1 =	seq.s32 s10, $0x1;
	s10 =	sld [smem:$0x3FB1];
	_ =	sdelay $0x3  }
0x37: {  	[smem:$0x3FB1] =	sst s10  }
0x38: {  	s10 =	sld [smem:$0x3FB2]  }
0x39: {  	_ = 	snop;
	(pc) =	sbr.ind lr, $3  }
0x3a: {  	_ = 	snop  }
0x3b: {  	_ = 	snop  }
0x3c: {  	p2 =	seq.s32 s10, $0x1;
	s10 =	sld [smem:$0x3FB1]  }
0x3d: {  	_ =	shalt  }
0x3e: {  	_ =	shalt  }
0x3f: {  	_ =	shalt  }
0x40: {  	_ =	shalt  }
0x41: {  	_ =	shalt  }
0x42: {  	_ =	shalt  }
0x43: {  	_ =	shalt  }
0x44: {  	_ =	shalt  }
0x45: {  	_ =	shalt  }
0x46: {  	_ =	shalt  }
0x47: {  	_ =	shalt  }
0x48: {  	_ =	shalt  }
0x49: {  	_ =	shalt  }
0x4a: {  	_ =	shalt  }
0x4b: {  	_ =	shalt  }
0x4c: {  	_ =	shalt  }
0x4d: {  	_ =	shalt  }
0x4e: {  	_ =	shalt  }
0x4f: {  	_ =	shalt  }
0x50: {  	_ =	shalt  }
0x51: {  	_ =	shalt  }
0x52: {  	_ =	shalt  }
0x53: {  	_ =	shalt  }
0x54: {  	_ =	shalt  }
0x55: {  	_ =	shalt  }
0x56: {  	_ =	shalt  }
0x57: {  	_ =	shalt  }
0x58: {  	_ =	shalt  }
0x59: {  	_ =	shalt  }
0x5a: {  	_ =	shalt  }
0x5b: {  	_ =	shalt  }
0x5c: {  	_ =	shalt  }
0x5d: {  	_ =	shalt  }
0x5e: {  	_ =	shalt  }
0x5f: {  	_ =	shalt  }
0x60: {  	_ =	shalt  }
0x61: {  	_ =	shalt  }
0x62: {  	_ =	shalt  }
0x63: {  	_ =	shalt  }
0x64: {  	_ =	shalt  }
0x65: {  	_ =	shalt  }
0x66: {  	_ =	shalt  }
0x67: {  	_ =	shalt  }
0x68: {  	_ =	shalt  }
0x69: {  	_ =	shalt  }
0x6a: {  	_ =	shalt  }
0x6b: {  	_ =	shalt  }
0x6c: {  	_ =	shalt  }
0x6d: {  	_ =	shalt  }
0x6e: {  	_ =	shalt  }
0x6f: {  	_ =	shalt  }
0x70: {  	_ =	shalt  }
0x71: {  	_ =	shalt  }
0x72: {  	_ =	shalt  }
0x73: {  	_ =	shalt  }
0x74: {  	_ =	shalt  }
0x75: {  	_ =	shalt  }
0x76: {  	_ =	shalt  }
0x77: {  	_ =	shalt  }
0x78: {  	_ =	shalt  }
0x79: {  	_ =	shalt  }
0x7a: {  	_ =	shalt  }
0x7b: {  	_ =	shalt  }
0x7c: {  	_ =	shalt  }
0x7d: {  	_ =	shalt  }
0x7e: {  	_ =	shalt  }
0x7f: {  	_ =	shalt  }
0x80: {  	_ =	shalt  }
0x81: {  	_ =	shalt  }
0x82: {  	_ =	shalt  }
0x83: {  	_ =	shalt  }
0x84: {  	_ =	shalt  }
0x85: {  	_ =	shalt  }
0x86: {  	_ =	shalt  }
0x87: {  	_ =	shalt  }
.Lfunc_end0:
.L_simem_size_0:
called_computation.1_lowered:
.L_overlay_start_0:
0x88: {  	s2 =	sld [smem:$0x3FD9]  }
0x89: {  	s3 =	sld [smem:$0x3FFE];
	_ =	sdelay $0x1  }
0x8a: {  	s1 =	srdreg.scid  }
0x8b: {  	s0 =	sand.u32 $0x1, s1  }
0x8c: {  	s17 =	sshll.u32 s0, $0xA;
	s2 =	sadd.s32 s3, s2  }
0x8d: {  	s2 =	sadd.s32 s2, s17  }
0x8e: {  	[smem:$0x3FBD] =	sst s2  }
0x8f: {  	_ = 	snop  }
0x90: {  	s18 =	sld [smem:$0x3FD0];
	(tm) =	ssettm $0x1  }
0x91: {  	s19 =	sld [smem:$0x3FFB];
	_ =	sdelay $0x3  }
0x92: {  	_ =	strace s19  }
0x93: {  	s2 =	sld [smem:$0x3FFC];
	_ =	sdelay $0x3  }
0x94: {  	_ =	strace s2  }
0x95: {  	s2 =	sld [smem:$0x3FFD];
	_ =	sdelay $0x3  }
0x96: {  	_ =	strace s2  }
0x97: {  	_ =	strace $0x8FFFFFFF  }
0x98: {  	s20 =	sld [smem:$0x3FDB];
	_ =	sdelay $0x1  }
0x99: {  	s4 =	simm.s32 $_scs_section_size  }
0x9a: {  	s5 =	simm.s32 $_size__tile_overlayer_lowered;
	s6 =	simm.s32 $_tile_overlayer_lowered  }
0x9b: {  	s7 =	simm.s32 $0x1BFF;
	s21 =	sshll.u32 s6, $0x1;
	s4 =	sadd.s32 s4, s20  }
0x9c: {  	s22 =	simm.s32 $0x0;
	s5 =	sshll.u32 s5, $0x1;
	s6 =	sadd.s32 s21, s4  }
0x9d: {  	[timem:s22], [sflag:s7] =	dma.local [hbm:s6], s5  }
0x9e: {  	_ =	swait.ge [sflag:s7], s5  }
0x9f: {  	s5 =	ssub.s32 $0x0, s5;
	[sflag:s7] =	ssyncset.done $0x0  }
0xa0: {  	[sflag:s7] =	ssyncadd.s32 s5;
	_ =	sdelay $0x1  }
0xa1: {  	s23 =	simm.s32 $0x1B8B  }
0xa2: {  	_ =	swait.ge [sflag:s23], $0x1  }
0xa3: {  	[sflag:s23] =	ssyncset.done $0x0  }
0xa4: {  	[sflag:s23] =	ssyncadd.s32 $0xFFFFFFFF  }
0xa5: {  	s5 =	sld [smem:$0x0]  }
0xa6: {  	s6 =	sand.u32 $0xFFFFFFFE, s1  }
0xa7: {  	p0 =	sne.s32 s1, s6  }
0xa8: {  	s6 =	sshll.u32 @p0 s6, $0xE  }
0xa9: {  	s6 =	sadd.s32 @p0 $0x11B8D, s6;
	s7 =	sshll.u32 @p0 s5, $0x11  }
0xaa: {  	s6 =	sor.u32 @p0 s7, s6  }
0xab: {  	[sflag:s6] =	ssyncadd.remote.s32 @p0 $0x1;
	_ =	sdelay $0x1  }
0xac: {  	s6 =	simm.s32 @p0 $0x1B8D  }
0xad: {  	_ =	swait.eq @p0 [sflag:s6], $0x1  }
0xae: {  	[sflag:s6] =	ssyncadd.s32 @p0 $0xFFFFFFFF  }
0xaf: {  	s7 =	sshll.u32 @!p0 s1, $0xE  }
0xb0: {  	s7 =	sor.u32 @!p0 $0x4000, s7;
	s6 =	simm.s32 @!p0 $0x1B8D  }
0xb1: {  	s5 =	sshll.u32 @!p0 s5, $0x11;
	s7 =	sadd.s32 @!p0 $0x11B8D, s7;
	_ =	swait.eq @!p0 [sflag:s6], $0x1  }
0xb2: {  	s5 =	sor.u32 @!p0 s5, s7;
	[sflag:s6] =	ssyncadd.s32 @!p0 $0xFFFFFFFF  }
0xb3: {  	s25 =	simm.s32 $0x1B8E;
	s24 =	sld [smem:$0x3FFE];
	[sflag:s5] =	ssyncadd.remote.s32 @!p0 $0x1  }
0xb4: {  	s26 =	simm.s32 $execute0_lowered;
	[smem:$0x3FD2] =	sst s25  }
0xb5: {  	s6 =	sshll.u32 s26, $0x1;
	_ =	strace $0x80000049;
	[dreg:$0x1] =	wrdreg $0xFFFFFFFF  }
0xb6: {  	s28 =	simm.s32 $_size_execute0_lowered;
	s4 =	sadd.s32 s4, s6;
	[dreg:$0x0] =	wrdreg $0x0  }
0xb7: {  	s6 =	sshll.u32 s28, $0x1;
	[dreg:$0x2] =	wrdreg s4  }
0xb8: {  	[dreg:$0x3] =	wrdreg s6  }
0xb9: {  	[dreg:$0x4] =	wrdreg $0xC0  }
0xba: {  	_ =	task [dreg:s22], $0x5FFFF  }
0xbb: {  	[dreg:$0x1] =	wrdreg $0xFFFFFFFF  }
0xbc: {  	[dreg:$0x0] =	wrdreg $0x60  }
0xbd: {  	[dreg:$0x2] =	wrdreg s24  }
0xbe: {  	[dreg:$0x3] =	wrdreg s18  }
0xbf: {  	[dreg:$0x4] =	wrdreg $0x90000  }
0xc0: {  	[dreg:$0x5] =	wrdreg $0xA  }
0xc1: {  	_ =	task.clear_ibuf [dreg:s22], $0x6FFFF;
	_ =	strace $0x90000049  }
0xc2: {  	s29 =	simm.s32 $0xA;
	_ =	strace $0x8000004B  }
0xc3: {  	_ =	swait.ge [sflag:s29], $0x1  }
0xc4: {  	[sflag:s29] =	ssyncadd.s32 $0xFFFFFFFF  }
0xc5: {  	_ =	strace $0x9000004B  }
0xc6: {  	_ =	sfence  }
0xc7: {  	s30 =	sld [smem:$0x0];
	_ =	sdelay $0x2  }
0xc8: {  	s31 =	sshll.u32 s1, $0xD;
	s1 =	sshrl.u32 s1, $0x2  }
0xc9: {  	s4 =	sand.u32 $0x4000, s31;
	s1 =	sadd.s32 s1, s30  }
0xca: {  	s0 =	sor.u32 s4, s0;
	s1 =	sshll.u32 s1, $0x11  }
0xcb: {  	s0 =	sor.u32 s1, s0  }
0xcc: {  	s0 =	sadd.s32 $0x8F2B, s0  }
0xcd: {  	[sflag:s0] =	ssyncadd.remote.s32 $0x1  }
0xce: {  	_ =	sfence.sel $0xFFFF  }
0xcf: {  	[dreg:$0x0] =	wrdreg $0xFFFFFFFF;
	(pc) =	sbr.abs _section_cstart, $3  }
0xd0: {  	[dreg:$0x1] =	wrdreg $0xFFFFFFFF  }
0xd1: {  	_ =	task.clear_ibuf [dreg:s22], $0x2FFFF;
	_ =	strace $0x9FFFFFFF  }
0xd2: {  	(tm) =	ssettm $0x7FFFFFFF  }
0xd3: {  	_ =	shalt  }
tec
execute0_lowered:
.L_overlay_start_1:
0x0: {  	(tag) =	ssettag $0x1  }
0x1: {  	s6 =	rddreg [dreg:$0x0]  }
0x2: {  	s0 =	srdreg.scid;
	s7 =	rddreg [dreg:$0x1]  }
0x3: {  	s2 =	rddreg [dreg:$0x2];
	s5 =	sand.u32 $0x1, s0  }
0x4: {  	s0 =	stileid.u32;
	s4 =	smul.u32 $0x28000, s5  }
0x5: {  	s1 =	rddreg [dreg:$0x3];
	s3 =	simm.s32 $0x0;
	s8 =	smul.u32 $0x2800, s0  }
0x6: {  	s14 =	simm.s32 $0x80;
	s15 =	simm.s32 $0x5000;
	s9 =	smul.u32 $0x140000, s5  }
0x7: {  	s16 =	simm.s32 $0x0;
	[smem:$0x7FF] =	sst s3;
	s26 =	smul.u32 $0x14000, s0  }
0x8: {  	_ =	strace $0x8000004A;
	s28 =	ssub.s32 $0x2, s5;
	s12 =	smul.u32 $0x50000, s0  }
0x9: {  	s5 =	sadd.s32 $0xE200, s6;
	s31 =	sshll.u32 s0, $0x6;
	s29 =	sshrl.u32 s28, $0x1  }
0xa: {  	s4 =	sadd.s32 s8, s4;
	s8 =	sadd.s32 s26, s9;
	s9 =	ssub.s32 s28, s29  }
0xb: {  	s30 =	sshrl.u32 s12, $0x2;
	s12 =	sor.u32 $0x1C01, s31;
	s10 =	sshrl.u32 s4, $0x3  }
0xc: {  	s4 =	sadd.s32 $0x88A00, s6;
	s8 =	sshrl.u32 s8, $0x3;
	s13 =	sadd.s32 s30, s2  }
0xd: {  	s9 =	smax.u32 s9, $0x1;
	s11 =	sadd.s32 s10, s6;
	s8 =	sadd.s32 s8, s6  }
0xe: {  	s6 =	sadd.s32 s7, s10;
	s10 =	simm.s32 $0x1;
	s13 =	sshrl.u32 s13, $0x3  }
0xf: {  	s7 =	sadd.s32 $0x4200, s11;
	s8 =	sadd.s32 $0xB0A00, s8;
	s11 =	simm.s32 $0x2800  }
.LBB2_1:
0x10: {  	[tilespmem:s3], [sflag:$0x1] =	stream.linear.gather [hbm4b:s6+s3], $0x2780, $0x38;
	[tilespmem:$0x1D000] =	vst v63  }
0x11: {  	_ =	swait.ge [sflag:s10], $0x2780  }
0x12: {  	[sflag:s10] =	ssyncset.done $0x0  }
0x13: {  	[sflag:s10] =	ssyncadd.s32 $0xFFFFD880  }
0x14: {  	[tilespmem:s11], [sflag:$0x1] =	stream.linear.gather [hbm4b:s7+s3], $0x2780, $0x38;
	[tilespmem:$0x1D000] =	vst v63  }
0x15: {  	_ =	swait.ge [sflag:s10], $0x2780  }
0x16: {  	[sflag:s10] =	ssyncset.done $0x0  }
0x17: {  	[sflag:s10] =	ssyncadd.s32 $0xFFFFD880  }
0x18: {  	[spmem:s13], [sflag:s12] =	dma.local [hbm:s5], $0x2800  }
0x19: {  	_ =	swait.ge [sflag:s10], $0x2800  }
0x1a: {  	[sflag:s10] =	ssyncset.done $0x0  }
0x1b: {  	[sflag:s10] =	ssyncadd.s32 $0xFFFFD800  }
0x1c: {  	s17 =	simm.s32 $0x0;
	[bflag:$0x0] =	sbarrier.arrive $0xFFFF  }
0x1d: {  	[tilespmem:s15], [sflag:$0x1] =	stream.indirect.gather [hbm4b:s4+s14], $0x80, s17, s14, $0xb8;
	[tilespmem:$0x1D000] =	vst v63  }
0x1e: {  	_ =	swait.ge [sflag:s10], $0x4000  }
0x1f: {  	[sflag:s10] =	ssyncset.done $0x0  }
0x20: {  	s31 =	simm.s32 $0x2800;
	[sflag:s10] =	ssyncadd.s32 $0xFFFFC000  }
0x21: {  	[spmem:s2] =	stream.indirect.scatter.add.f32 [tilespmem:s15], [sflag:$0x1], $0x80, s31, s14, $0xb8;
	[tilespmem:$0x1D000] =	vst v63  }
0x22: {  	_ =	swait.ge [sflag:s10], $0x4000  }
0x23: {  	s18 =	simm.s32 $0x400;
	s17 =	simm.s32 $0x200;
	[sflag:s10] =	ssyncset.done $0x0  }
.LBB2_2:
0x24: {  	s19 =	sshra.s32 s17, $0x2  }
0x25: {  	[sflag:s10] =	ssyncadd.s32 $0xFFFFC000;
	s17 =	smov.u32 s18;
	s20 =	sadd.s32 $0x200, s18  }
0x26: {  	[tilespmem:s15], [sflag:$0x1] =	stream.indirect.gather [hbm4b:s4+s14], $0x80, s19, s14, $0xb8;
	[tilespmem:$0x1D000] =	vst v63  }
0x27: {  	p0 =	sne.s32 s18, $0x9C00;
	_ =	swait.ge [sflag:s10], $0x4000  }
.Ltmp0:
0x28: {  	[sflag:s10] =	ssyncset.done $0x0;
	(pc) =	sbr.rel @p0 .LBB2_2-.Ltmp0, $4  }
0x29: {  	s18 =	sadd.s32 $0x2800, s19;
	[sflag:s10] =	ssyncadd.s32 $0xFFFFC000  }
0x2a: {  	[spmem:s2] =	stream.indirect.scatter.add.f32 [tilespmem:s15], [sflag:$0x1], $0x80, s18, s14, $0xb8;
	[tilespmem:$0x1D000] =	vst v63  }
0x2b: {  	_ =	swait.ge [sflag:s10], $0x4000  }
0x2c: {  	s18 =	smov.u32 s20;
	[sflag:s10] =	ssyncset.done $0x0  }
0x2d: {  	s17 =	sshra.s32 s17, $0x2;
	[sflag:s10] =	ssyncadd.s32 $0xFFFFC000  }
0x2e: {  	[tilespmem:s15], [sflag:$0x1] =	stream.indirect.gather [hbm4b:s4+s14], $0x80, s17, s14, $0xb8;
	[tilespmem:$0x1D000] =	vst v63  }
0x2f: {  	_ =	swait.ge [sflag:s10], $0x4000  }
0x30: {  	[sflag:s10] =	ssyncset.done $0x0  }
0x31: {  	s17 =	sadd.s32 $0x2800, s17;
	[sflag:s10] =	ssyncadd.s32 $0xFFFFC000  }
0x32: {  	[spmem:s2] =	stream.indirect.scatter.add.f32 [tilespmem:s15], [sflag:$0x1], $0x80, s17, s14, $0xb8;
	[tilespmem:$0x1D000] =	vst v63  }
0x33: {  	_ =	swait.ge [sflag:s10], $0x4000  }
0x34: {  	s16 =	sadd.s32 $0x1, s16;
	[sflag:s10] =	ssyncset.done $0x0  }
0x35: {  	p0 =	sne.s32 s16, s9;
	[sflag:s10] =	ssyncadd.s32 $0xFFFFC000  }
.Ltmp1:
0x36: {  	[bflag:$0x0] =	sbarrier.arrive $0xFFFF;
	(pc) =	sbr.rel @p0 .LBB2_1-.Ltmp1, $4  }
0x37: {  	[hbm:s8], [sflag:s12] =	dma.local [spmem:s13], $0x2800  }
0x38: {  	_ =	swait.ge [sflag:s10], $0x2800  }
0x39: {  	[sflag:s10] =	ssyncset.done $0x0  }
0x3a: {  	[sflag:s10] =	ssyncadd.s32 $0xFFFFD800  }
0x3b: {  	_ =	sfence.sel $0x180000  }
0x3c: {  	[bflag:$0x0] =	sbarrier.arrive $0xFFFF  }
0x3d: {  	p0 =	sne.s32 s0, $0x0;
	_ =	strace $0x9000004A  }
0x3e: {  	s0 =	sadd.s32 @!p0 $0x100000, s1;
	[bflag:$0x2] =	sbarrier.arrive $0xFFFF  }
0x3f: {  	[sflag:s0] =	ssyncadd.tile.s32 @!p0 $0x1;
	_ =	shalt  }
.Lfunc_end2:
_tile_overlayer_lowered:
.L_overlay_start_2:
0x40: {  	(tag) =	ssettag $0x2  }
0x41: {  	s0 =	rddreg [dreg:$0x0];
	s2 =	stileid.u32  }
0x42: {  	s1 =	rddreg [dreg:$0x1];
	p0 =	sne.s32 s2, $0x0  }
0x43: {  	s3 =	rddreg [dreg:$0x2];
	[bflag:$0x3] =	sbarrier.arrive $0xFFFF;
	s2 =	simm.s32 @!p0 $0x1C01  }
0x44: {  	[timem:s3], [sflag:s2] =	dma.local @!p0 [hbm:s0], s1  }
0x45: {  	s0 =	simm.s32 @!p0 $0x1  }
0x46: {  	_ =	swait.ge @!p0 [sflag:s0], s1  }
0x47: {  	s1 =	ssub.s32 @!p0 $0x0, s1;
	[sflag:s0] =	ssyncset.done @!p0 $0x0  }
0x48: {  	[sflag:s0] =	ssyncadd.s32 @!p0 s1  }
0x49: {  	[bflag:$0x3] =	sbarrier.arrive $0xFFFF  }
0x4a: {  	_ =	shalt  }

// kernel: kernel.15.cloned.1.call-start
scs
__scs_entry_jumppad:
0x0: {  	(pc) =	sbr.rel $0x88, $3  }
0x1: {  	(tag) =	ssettag $0x0;
	lr =	simm.s32 $0x1  }
0x2: {  	[smem:$0x3F96] =	sst lr;
	_ =	strace $0xD0000000  }
0x3: {  	_ = 	snop  }
0x4: {  	_ = 	snop  }
0x5: {  	_ = 	snop  }
0x6: {  	_ = 	snop  }
0x7: {  	_ = 	snop  }
__scs_overlays_trampoline_lowered:
0x8: {  	[smem:$0x3FA5] =	sst s0  }
0x9: {  	[smem:$0x3FA6] =	sst s1  }
0xa: {  	[smem:$0x3FA7] =	sst s2  }
0xb: {  	[smem:$0x3FA8] =	sst s3  }
0xc: {  	[smem:$0x3FA9] =	sst s4  }
0xd: {  	[smem:$0x3FAA] =	sst s5  }
0xe: {  	[smem:$0x3FAB] =	sst s6  }
0xf: {  	[smem:$0x3FAC] =	sst s7  }
0x10: {  	[smem:$0x3FAD] =	sst s8  }
0x11: {  	[smem:$0x3FAE] =	sst s9;
	s0 =	simm.s32 @!p0 $0x0  }
0x12: {  	s1 =	sld [smem:$0x3F94];
	s0 =	simm.s32 @p0 $0x1  }
0x13: {  	[smem:$0x3FAF] =	sst s0;
	s0 =	simm.s32 @!p1 $0x0  }
0x14: {  	s2 =	sld [smem:$0x3F93];
	s0 =	simm.s32 @p1 $0x1  }
0x15: {  	[smem:$0x3FB0] =	sst s0;
	s0 =	simm.s32 @!p2 $0x0  }
0x16: {  	s3 =	sld [smem:$0x3FDB];
	s0 =	simm.s32 @p2 $0x1  }
0x17: {  	s4 =	simm.s32 $0x1BF5;
	[smem:$0x3FB2] =	sst s0  }
0x18: {  	s0 =	sld [smem:$0x3F95];
	_ =	swait.ge [sflag:s4], $0x0  }
0x19: {  	s7 =	sld [smem:$0x3F96]  }
0x1a: {  	s8 =	sadd.s32 $0xFFFFE003, lr  }
0x1b: {  	s9 =	sadd.s32 $0xFFFFFEF7, lr;
	s5 =	simm.s32 $0xFFFFFFFF;
	p2 =	slt.u32 s8, $0xFFFFF086  }
0x1c: {  	p1 =	slt.u32 s9, $0xF7A;
	s5 =	simm.s32 @!p2 $0x0  }
0x1d: {  	s5 =	simm.s32 @p1 $0x1;
	p0 =	seq.s32 s7, s2  }
0x1e: {  	s7 =	smul.u32 @!p0 $0xF7A, s2;
	p2 =	seq.s32 @!p0 s5, $0x0  }
0x1f: {  	s9 =	smul.u32 $0xF7A, s1;
	s8 =	simm.s32 @!p0 $0x1BF5;
	p2 =	por !p2, p0  }
0x20: {  	[sflag:s8] =	ssyncset.s32 @!p0 $0xFFFFF086;
	s6 =	sadd.s32 @!p0 s3, s7;
	s7 =	simm.s32 @!p0 $0x108  }
0x21: {  	s3 =	sadd.s32 s3, s9;
	s6 =	sadd.s32 @!p0 $0x88, s6;
	s7 =	simm.s32 @p2 $0x1082  }
0x22: {  	[simem:s7], [sflag:s8] =	dma.local @!p0 [hbm:s6], $0xF7A  }
0x23: {  	s9 =	sor.u32 $0xD0000000, s2;
	s6 =	simm.s32 $0x108;
	_ =	swait.ge @!p0 [sflag:s8], $0x0  }
0x24: {  	s3 =	sadd.s32 $0x88, s3;
	s6 =	simm.s32 @!p1 $0x1082;
	[sflag:s4] =	ssyncset.s32 $0xFFFFF086  }
0x25: {  	[simem:s6], [sflag:s4] =	dma.local [hbm:s3], $0xF7A  }
0x26: {  	[smem:$0x3F96] =	sst s1;
	(tag) =	ssettag s2;
	_ =	strace s9  }
0x27: {  	s1 =	sld [smem:$0x3FA6]  }
0x28: {  	s2 =	sld [smem:$0x3FA7]  }
0x29: {  	s4 =	sld [smem:$0x3FA9]  }
0x2a: {  	p0 =	seq.s32 s5, $0x0;
	s5 =	sld [smem:$0x3FAA]  }
0x2b: {  	s6 =	sld [smem:$0x3FAB]  }
0x2c: {  	s7 =	sld [smem:$0x3FAC]  }
0x2d: {  	s3 =	simm.s32 $0x108;
	s8 =	sld [smem:$0x3FAD]  }
0x2e: {  	s3 =	simm.s32 @!p0 $0x1082;
	s9 =	sld [smem:$0x3FAE]  }
0x2f: {  	lr =	sadd.s32 s0, s3;
	s0 =	sld [smem:$0x3FA5]  }
0x30: {  	s3 =	sld [smem:$0x3FA8]  }
0x31: {  	[smem:$0x3FB1] =	sst s10  }
0x32: {  	s10 =	sld [smem:$0x3FAF];
	_ =	sdelay $0x3  }
0x33: {  	p0 =	seq.s32 s10, $0x1;
	s10 =	sld [smem:$0x3FB1];
	_ =	sdelay $0x3  }
0x34: {  	[smem:$0x3FB1] =	sst s10  }
0x35: {  	s10 =	sld [smem:$0x3FB0];
	_ =	sdelay $0x3  }
0x36: {  	p1 =	seq.s32 s10, $0x1;
	s10 =	sld [smem:$0x3FB1];
	_ =	sdelay $0x3  }
0x37: {  	[smem:$0x3FB1] =	sst s10  }
0x38: {  	s10 =	sld [smem:$0x3FB2]  }
0x39: {  	_ = 	snop;
	(pc) =	sbr.ind lr, $3  }
0x3a: {  	_ = 	snop  }
0x3b: {  	_ = 	snop  }
0x3c: {  	p2 =	seq.s32 s10, $0x1;
	s10 =	sld [smem:$0x3FB1]  }
0x3d: {  	_ =	shalt  }
0x3e: {  	_ =	shalt  }
0x3f: {  	_ =	shalt  }
0x40: {  	_ =	shalt  }
0x41: {  	_ =	shalt  }
0x42: {  	_ =	shalt  }
0x43: {  	_ =	shalt  }
0x44: {  	_ =	shalt  }
0x45: {  	_ =	shalt  }
0x46: {  	_ =	shalt  }
0x47: {  	_ =	shalt  }
0x48: {  	_ =	shalt  }
0x49: {  	_ =	shalt  }
0x4a: {  	_ =	shalt  }
0x4b: {  	_ =	shalt  }
0x4c: {  	_ =	shalt  }
0x4d: {  	_ =	shalt  }
0x4e: {  	_ =	shalt  }
0x4f: {  	_ =	shalt  }
0x50: {  	_ =	shalt  }
0x51: {  	_ =	shalt  }
0x52: {  	_ =	shalt  }
0x53: {  	_ =	shalt  }
0x54: {  	_ =	shalt  }
0x55: {  	_ =	shalt  }
0x56: {  	_ =	shalt  }
0x57: {  	_ =	shalt  }
0x58: {  	_ =	shalt  }
0x59: {  	_ =	shalt  }
0x5a: {  	_ =	shalt  }
0x5b: {  	_ =	shalt  }
0x5c: {  	_ =	shalt  }
0x5d: {  	_ =	shalt  }
0x5e: {  	_ =	shalt  }
0x5f: {  	_ =	shalt  }
0x60: {  	_ =	shalt  }
0x61: {  	_ =	shalt  }
0x62: {  	_ =	shalt  }
0x63: {  	_ =	shalt  }
0x64: {  	_ =	shalt  }
0x65: {  	_ =	shalt  }
0x66: {  	_ =	shalt  }
0x67: {  	_ =	shalt  }
0x68: {  	_ =	shalt  }
0x69: {  	_ =	shalt  }
0x6a: {  	_ =	shalt  }
0x6b: {  	_ =	shalt  }
0x6c: {  	_ =	shalt  }
0x6d: {  	_ =	shalt  }
0x6e: {  	_ =	shalt  }
0x6f: {  	_ =	shalt  }
0x70: {  	_ =	shalt  }
0x71: {  	_ =	shalt  }
0x72: {  	_ =	shalt  }
0x73: {  	_ =	shalt  }
0x74: {  	_ =	shalt  }
0x75: {  	_ =	shalt  }
0x76: {  	_ =	shalt  }
0x77: {  	_ =	shalt  }
0x78: {  	_ =	shalt  }
0x79: {  	_ =	shalt  }
0x7a: {  	_ =	shalt  }
0x7b: {  	_ =	shalt  }
0x7c: {  	_ =	shalt  }
0x7d: {  	_ =	shalt  }
0x7e: {  	_ =	shalt  }
0x7f: {  	_ =	shalt  }
0x80: {  	_ =	shalt  }
0x81: {  	_ =	shalt  }
0x82: {  	_ =	shalt  }
0x83: {  	_ =	shalt  }
0x84: {  	_ =	shalt  }
0x85: {  	_ =	shalt  }
0x86: {  	_ =	shalt  }
0x87: {  	_ =	shalt  }
.Lfunc_end0:
.L_simem_size_0:
called_computation.2_lowered:
.L_overlay_start_0:
0x88: {  	s2 =	sld [smem:$0x3FD9]  }
0x89: {  	s3 =	sld [smem:$0x3FFE];
	_ =	sdelay $0x1  }
0x8a: {  	s1 =	srdreg.scid  }
0x8b: {  	s0 =	sand.u32 $0x1, s1  }
0x8c: {  	s17 =	sshll.u32 s0, $0xA;
	s2 =	sadd.s32 s3, s2  }
0x8d: {  	s2 =	sadd.s32 s2, s17  }
0x8e: {  	[smem:$0x3FBD] =	sst s2  }
0x8f: {  	_ = 	snop  }
0x90: {  	s2 =	sld [smem:$0x3FD0];
	(tm) =	ssettm $0x1  }
0x91: {  	s18 =	sld [smem:$0x3FFB];
	_ =	sdelay $0x3  }
0x92: {  	_ =	strace s18  }
0x93: {  	s3 =	sld [smem:$0x3FFC];
	_ =	sdelay $0x3  }
0x94: {  	_ =	strace s3  }
0x95: {  	s3 =	sld [smem:$0x3FFD];
	_ =	sdelay $0x3  }
0x96: {  	_ =	strace s3  }
0x97: {  	_ =	strace $0x8FFFFFFF  }
0x98: {  	s19 =	sld [smem:$0x3FDB];
	_ =	sdelay $0x1  }
0x99: {  	s4 =	simm.s32 $_scs_section_size  }
0x9a: {  	s5 =	simm.s32 $_size__tile_overlayer_lowered;
	s6 =	simm.s32 $_tile_overlayer_lowered  }
0x9b: {  	s22 =	simm.s32 $0x1BFF;
	s21 =	sshll.u32 s6, $0x1;
	s3 =	sadd.s32 s4, s19  }
0x9c: {  	s7 =	simm.s32 $0x0;
	s20 =	sshll.u32 s5, $0x1;
	s5 =	sadd.s32 s21, s3  }
0x9d: {  	[timem:s7], [sflag:s22] =	dma.local [hbm:s5], s20  }
0x9e: {  	_ =	swait.ge [sflag:s22], s20  }
0x9f: {  	s4 =	ssub.s32 $0x0, s20;
	[sflag:s22] =	ssyncset.done $0x0  }
0xa0: {  	[sflag:s22] =	ssyncadd.s32 s4;
	_ =	sdelay $0x1  }
0xa1: {  	s23 =	simm.s32 $0x1B8B  }
0xa2: {  	_ =	swait.ge [sflag:s23], $0x1  }
0xa3: {  	[sflag:s23] =	ssyncset.done $0x0  }
0xa4: {  	s25 =	simm.s32 $0x1B8E;
	s24 =	sld [smem:$0x3FFE];
	[sflag:s23] =	ssyncadd.s32 $0xFFFFFFFF  }
0xa5: {  	s26 =	simm.s32 $execute0_lowered;
	[smem:$0x3FD2] =	sst s25  }
0xa6: {  	s5 =	sshll.u32 s26, $0x1;
	_ =	strace $0x8000004C;
	[dreg:$0x1] =	wrdreg $0xFFFFFFFF  }
0xa7: {  	s28 =	simm.s32 $_size_execute0_lowered;
	s3 =	sadd.s32 s3, s5;
	[dreg:$0x0] =	wrdreg $0x0  }
0xa8: {  	s5 =	sshll.u32 s28, $0x1;
	[dreg:$0x2] =	wrdreg s3  }
0xa9: {  	[dreg:$0x3] =	wrdreg s5  }
0xaa: {  	[dreg:$0x4] =	wrdreg $0xC0  }
0xab: {  	_ =	task [dreg:s7], $0x5FFFF  }
0xac: {  	[dreg:$0x1] =	wrdreg $0xFFFFFFFF  }
0xad: {  	[dreg:$0x0] =	wrdreg $0x60  }
0xae: {  	[dreg:$0x2] =	wrdreg s24  }
0xaf: {  	[dreg:$0x3] =	wrdreg s2  }
0xb0: {  	[dreg:$0x4] =	wrdreg $0x90000  }
0xb1: {  	[dreg:$0x5] =	wrdreg $0x9  }
0xb2: {  	_ =	task.clear_ibuf [dreg:s7], $0x6FFFF;
	_ =	strace $0x9000004C  }
0xb3: {  	s29 =	simm.s32 $0x9;
	_ =	strace $0x8000004E  }
0xb4: {  	_ =	swait.ge [sflag:s29], $0x1  }
0xb5: {  	[sflag:s29] =	ssyncadd.s32 $0xFFFFFFFF  }
0xb6: {  	_ =	strace $0x9000004E  }
0xb7: {  	_ =	sfence  }
0xb8: {  	s30 =	sld [smem:$0x0];
	_ =	sdelay $0x2  }
0xb9: {  	s31 =	sshll.u32 s1, $0xD;
	s1 =	sshrl.u32 s1, $0x2  }
0xba: {  	s3 =	sand.u32 $0x4000, s31;
	s1 =	sadd.s32 s1, s30  }
0xbb: {  	s0 =	sor.u32 s3, s0;
	s1 =	sshll.u32 s1, $0x11  }
0xbc: {  	s0 =	sor.u32 s1, s0  }
0xbd: {  	s0 =	sadd.s32 $0x8F2B, s0  }
0xbe: {  	[sflag:s0] =	ssyncadd.remote.s32 $0x1  }
0xbf: {  	_ =	sfence.sel $0xFFFF  }
0xc0: {  	[dreg:$0x0] =	wrdreg $0xFFFFFFFF;
	(pc) =	sbr.abs _section_cstart, $3  }
0xc1: {  	[dreg:$0x1] =	wrdreg $0xFFFFFFFF  }
0xc2: {  	_ =	task.clear_ibuf [dreg:s7], $0x2FFFF;
	_ =	strace $0x9FFFFFFF  }
0xc3: {  	(tm) =	ssettm $0x7FFFFFFF  }
tec
execute0_lowered:
.L_overlay_start_1:
0x0: {  	(tag) =	ssettag $0x1  }
0x1: {  	s6 =	rddreg [dreg:$0x0]  }
0x2: {  	s0 =	srdreg.scid;
	s7 =	rddreg [dreg:$0x1]  }
0x3: {  	s2 =	rddreg [dreg:$0x2];
	s5 =	sand.u32 $0x1, s0  }
0x4: {  	s0 =	stileid.u32;
	s4 =	smul.u32 $0x28000, s5  }
0x5: {  	s1 =	rddreg [dreg:$0x3];
	s3 =	simm.s32 $0x0;
	s8 =	smul.u32 $0x2800, s0  }
0x6: {  	s14 =	simm.s32 $0x80;
	s15 =	simm.s32 $0x5000;
	s9 =	smul.u32 $0x140000, s5  }
0x7: {  	s16 =	simm.s32 $0x0;
	[smem:$0x7FF] =	sst s3;
	s26 =	smul.u32 $0x14000, s0  }
0x8: {  	_ =	strace $0x8000004D;
	s28 =	ssub.s32 $0x2, s5;
	s12 =	smul.u32 $0x50000, s0  }
0x9: {  	s5 =	sadd.s32 $0xE200, s6;
	s31 =	sshll.u32 s0, $0x6;
	s29 =	sshrl.u32 s28, $0x1  }
0xa: {  	s4 =	sadd.s32 s8, s4;
	s8 =	sadd.s32 s26, s9;
	s9 =	ssub.s32 s28, s29  }
0xb: {  	s30 =	sshrl.u32 s12, $0x2;
	s12 =	sor.u32 $0x1C01, s31;
	s10 =	sshrl.u32 s4, $0x3  }
0xc: {  	s4 =	sadd.s32 $0x10A00, s6;
	s8 =	sshrl.u32 s8, $0x3;
	s13 =	sadd.s32 s30, s2  }
0xd: {  	s9 =	smax.u32 s9, $0x1;
	s11 =	sadd.s32 s10, s6;
	s8 =	sadd.s32 s8, s6  }
0xe: {  	s6 =	sadd.s32 s7, s10;
	s10 =	simm.s32 $0x1;
	s13 =	sshrl.u32 s13, $0x3  }
0xf: {  	s7 =	sadd.s32 $0x4200, s11;
	s8 =	sadd.s32 $0x60A00, s8;
	s11 =	simm.s32 $0x2800  }
.LBB2_1:
0x10: {  	[tilespmem:s3], [sflag:$0x1] =	stream.linear.gather [hbm4b:s6+s3], $0x2780, $0x38;
	[tilespmem:$0x1D000] =	vst v63  }
0x11: {  	_ =	swait.ge [sflag:s10], $0x2780  }
0x12: {  	[sflag:s10] =	ssyncset.done $0x0  }
0x13: {  	[sflag:s10] =	ssyncadd.s32 $0xFFFFD880  }
0x14: {  	[tilespmem:s11], [sflag:$0x1] =	stream.linear.gather [hbm4b:s7+s3], $0x2780, $0x38;
	[tilespmem:$0x1D000] =	vst v63  }
0x15: {  	_ =	swait.ge [sflag:s10], $0x2780  }
0x16: {  	[sflag:s10] =	ssyncset.done $0x0  }
0x17: {  	[sflag:s10] =	ssyncadd.s32 $0xFFFFD880  }
0x18: {  	[spmem:s13], [sflag:s12] =	dma.local [hbm:s5], $0x2800  }
0x19: {  	_ =	swait.ge [sflag:s10], $0x2800  }
0x1a: {  	[sflag:s10] =	ssyncset.done $0x0  }
0x1b: {  	[sflag:s10] =	ssyncadd.s32 $0xFFFFD800  }
0x1c: {  	s17 =	simm.s32 $0x0;
	[bflag:$0x0] =	sbarrier.arrive $0xFFFF  }
0x1d: {  	[tilespmem:s15], [sflag:$0x1] =	stream.indirect.gather [hbm4b:s4+s14], $0x80, s17, s14, $0xb8;
	[tilespmem:$0x1D000] =	vst v63  }
0x1e: {  	_ =	swait.ge [sflag:s10], $0x4000  }
0x1f: {  	[sflag:s10] =	ssyncset.done $0x0  }
0x20: {  	s31 =	simm.s32 $0x2800;
	[sflag:s10] =	ssyncadd.s32 $0xFFFFC000  }
0x21: {  	[spmem:s2] =	stream.indirect.scatter.add.f32 [tilespmem:s15], [sflag:$0x1], $0x80, s31, s14, $0xb8;
	[tilespmem:$0x1D000] =	vst v63  }
0x22: {  	_ =	swait.ge [sflag:s10], $0x4000  }
0x23: {  	s18 =	simm.s32 $0x400;
	s17 =	simm.s32 $0x200;
	[sflag:s10] =	ssyncset.done $0x0  }
.LBB2_2:
0x24: {  	s19 =	sshra.s32 s17, $0x2  }
0x25: {  	[sflag:s10] =	ssyncadd.s32 $0xFFFFC000;
	s17 =	smov.u32 s18;
	s20 =	sadd.s32 $0x200, s18  }
0x26: {  	[tilespmem:s15], [sflag:$0x1] =	stream.indirect.gather [hbm4b:s4+s14], $0x80, s19, s14, $0xb8;
	[tilespmem:$0x1D000] =	vst v63  }
0x27: {  	p0 =	sne.s32 s18, $0x9C00;
	_ =	swait.ge [sflag:s10], $0x4000  }
.Ltmp0:
0x28: {  	[sflag:s10] =	ssyncset.done $0x0;
	(pc) =	sbr.rel @p0 .LBB2_2-.Ltmp0, $4  }
0x29: {  	s18 =	sadd.s32 $0x2800, s19;
	[sflag:s10] =	ssyncadd.s32 $0xFFFFC000  }
0x2a: {  	[spmem:s2] =	stream.indirect.scatter.add.f32 [tilespmem:s15], [sflag:$0x1], $0x80, s18, s14, $0xb8;
	[tilespmem:$0x1D000] =	vst v63  }
0x2b: {  	_ =	swait.ge [sflag:s10], $0x4000  }
0x2c: {  	s18 =	smov.u32 s20;
	[sflag:s10] =	ssyncset.done $0x0  }
0x2d: {  	s17 =	sshra.s32 s17, $0x2;
	[sflag:s10] =	ssyncadd.s32 $0xFFFFC000  }
0x2e: {  	[tilespmem:s15], [sflag:$0x1] =	stream.indirect.gather [hbm4b:s4+s14], $0x80, s17, s14, $0xb8;
	[tilespmem:$0x1D000] =	vst v63  }
0x2f: {  	_ =	swait.ge [sflag:s10], $0x4000  }
0x30: {  	[sflag:s10] =	ssyncset.done $0x0  }
0x31: {  	s17 =	sadd.s32 $0x2800, s17;
	[sflag:s10] =	ssyncadd.s32 $0xFFFFC000  }
0x32: {  	[spmem:s2] =	stream.indirect.scatter.add.f32 [tilespmem:s15], [sflag:$0x1], $0x80, s17, s14, $0xb8;
	[tilespmem:$0x1D000] =	vst v63  }
0x33: {  	_ =	swait.ge [sflag:s10], $0x4000  }
0x34: {  	s16 =	sadd.s32 $0x1, s16;
	[sflag:s10] =	ssyncset.done $0x0  }
0x35: {  	p0 =	sne.s32 s16, s9;
	[sflag:s10] =	ssyncadd.s32 $0xFFFFC000  }
.Ltmp1:
0x36: {  	[bflag:$0x0] =	sbarrier.arrive $0xFFFF;
	(pc) =	sbr.rel @p0 .LBB2_1-.Ltmp1, $4  }
0x37: {  	[hbm:s8], [sflag:s12] =	dma.local [spmem:s13], $0x2800  }
0x38: {  	_ =	swait.ge [sflag:s10], $0x2800  }
0x39: {  	[sflag:s10] =	ssyncset.done $0x0  }
0x3a: {  	[sflag:s10] =	ssyncadd.s32 $0xFFFFD800  }
0x3b: {  	_ =	sfence.sel $0x180000  }
0x3c: {  	[bflag:$0x0] =	sbarrier.arrive $0xFFFF  }
0x3d: {  	p0 =	sne.s32 s0, $0x0;
	_ =	strace $0x9000004D  }
0x3e: {  	s0 =	sadd.s32 @!p0 $0x100000, s1;
	[bflag:$0x2] =	sbarrier.arrive $0xFFFF  }
0x3f: {  	[sflag:s0] =	ssyncadd.tile.s32 @!p0 $0x1;
	_ =	shalt  }
.Lfunc_end2:
_tile_overlayer_lowered:
.L_overlay_start_2:
0x40: {  	(tag) =	ssettag $0x2  }
0x41: {  	s0 =	rddreg [dreg:$0x0];
	s2 =	stileid.u32  }
0x42: {  	s1 =	rddreg [dreg:$0x1];
	p0 =	sne.s32 s2, $0x0  }
0x43: {  	s3 =	rddreg [dreg:$0x2];
	[bflag:$0x3] =	sbarrier.arrive $0xFFFF;
	s2 =	simm.s32 @!p0 $0x1C01  }
0x44: {  	[timem:s3], [sflag:s2] =	dma.local @!p0 [hbm:s0], s1  }
0x45: {  	s0 =	simm.s32 @!p0 $0x1  }
0x46: {  	_ =	swait.ge @!p0 [sflag:s0], s1  }
0x47: {  	s1 =	ssub.s32 @!p0 $0x0, s1;
	[sflag:s0] =	ssyncset.done @!p0 $0x0  }
0x48: {  	[sflag:s0] =	ssyncadd.s32 @!p0 s1  }
0x49: {  	[bflag:$0x3] =	sbarrier.arrive $0xFFFF  }
0x4a: {  	_ =	shalt  }

// kernel: kernel.18.cloned.1.call-start
scs
__scs_entry_jumppad:
0x0: {  	(pc) =	sbr.rel $0x88, $3  }
0x1: {  	(tag) =	ssettag $0x0;
	lr =	simm.s32 $0x1  }
0x2: {  	[smem:$0x3F96] =	sst lr;
	_ =	strace $0xD0000000  }
0x3: {  	_ = 	snop  }
0x4: {  	_ = 	snop  }
0x5: {  	_ = 	snop  }
0x6: {  	_ = 	snop  }
0x7: {  	_ = 	snop  }
__scs_overlays_trampoline_lowered:
0x8: {  	[smem:$0x3FA5] =	sst s0  }
0x9: {  	[smem:$0x3FA6] =	sst s1  }
0xa: {  	[smem:$0x3FA7] =	sst s2  }
0xb: {  	[smem:$0x3FA8] =	sst s3  }
0xc: {  	[smem:$0x3FA9] =	sst s4  }
0xd: {  	[smem:$0x3FAA] =	sst s5  }
0xe: {  	[smem:$0x3FAB] =	sst s6  }
0xf: {  	[smem:$0x3FAC] =	sst s7  }
0x10: {  	[smem:$0x3FAD] =	sst s8  }
0x11: {  	[smem:$0x3FAE] =	sst s9;
	s0 =	simm.s32 @!p0 $0x0  }
0x12: {  	s1 =	sld [smem:$0x3F94];
	s0 =	simm.s32 @p0 $0x1  }
0x13: {  	[smem:$0x3FAF] =	sst s0;
	s0 =	simm.s32 @!p1 $0x0  }
0x14: {  	s2 =	sld [smem:$0x3F93];
	s0 =	simm.s32 @p1 $0x1  }
0x15: {  	[smem:$0x3FB0] =	sst s0;
	s0 =	simm.s32 @!p2 $0x0  }
0x16: {  	s3 =	sld [smem:$0x3FDB];
	s0 =	simm.s32 @p2 $0x1  }
0x17: {  	s4 =	simm.s32 $0x1BF5;
	[smem:$0x3FB2] =	sst s0  }
0x18: {  	s0 =	sld [smem:$0x3F95];
	_ =	swait.ge [sflag:s4], $0x0  }
0x19: {  	s7 =	sld [smem:$0x3F96]  }
0x1a: {  	s8 =	sadd.s32 $0xFFFFE003, lr  }
0x1b: {  	s9 =	sadd.s32 $0xFFFFFEF7, lr;
	s5 =	simm.s32 $0xFFFFFFFF;
	p2 =	slt.u32 s8, $0xFFFFF086  }
0x1c: {  	p1 =	slt.u32 s9, $0xF7A;
	s5 =	simm.s32 @!p2 $0x0  }
0x1d: {  	s5 =	simm.s32 @p1 $0x1;
	p0 =	seq.s32 s7, s2  }
0x1e: {  	s7 =	smul.u32 @!p0 $0xF7A, s2;
	p2 =	seq.s32 @!p0 s5, $0x0  }
0x1f: {  	s9 =	smul.u32 $0xF7A, s1;
	s8 =	simm.s32 @!p0 $0x1BF5;
	p2 =	por !p2, p0  }
0x20: {  	[sflag:s8] =	ssyncset.s32 @!p0 $0xFFFFF086;
	s6 =	sadd.s32 @!p0 s3, s7;
	s7 =	simm.s32 @!p0 $0x108  }
0x21: {  	s3 =	sadd.s32 s3, s9;
	s6 =	sadd.s32 @!p0 $0x88, s6;
	s7 =	simm.s32 @p2 $0x1082  }
0x22: {  	[simem:s7], [sflag:s8] =	dma.local @!p0 [hbm:s6], $0xF7A  }
0x23: {  	s9 =	sor.u32 $0xD0000000, s2;
	s6 =	simm.s32 $0x108;
	_ =	swait.ge @!p0 [sflag:s8], $0x0  }
0x24: {  	s3 =	sadd.s32 $0x88, s3;
	s6 =	simm.s32 @!p1 $0x1082;
	[sflag:s4] =	ssyncset.s32 $0xFFFFF086  }
0x25: {  	[simem:s6], [sflag:s4] =	dma.local [hbm:s3], $0xF7A  }
0x26: {  	[smem:$0x3F96] =	sst s1;
	(tag) =	ssettag s2;
	_ =	strace s9  }
0x27: {  	s1 =	sld [smem:$0x3FA6]  }
0x28: {  	s2 =	sld [smem:$0x3FA7]  }
0x29: {  	s4 =	sld [smem:$0x3FA9]  }
0x2a: {  	p0 =	seq.s32 s5, $0x0;
	s5 =	sld [smem:$0x3FAA]  }
0x2b: {  	s6 =	sld [smem:$0x3FAB]  }
0x2c: {  	s7 =	sld [smem:$0x3FAC]  }
0x2d: {  	s3 =	simm.s32 $0x108;
	s8 =	sld [smem:$0x3FAD]  }
0x2e: {  	s3 =	simm.s32 @!p0 $0x1082;
	s9 =	sld [smem:$0x3FAE]  }
0x2f: {  	lr =	sadd.s32 s0, s3;
	s0 =	sld [smem:$0x3FA5]  }
0x30: {  	s3 =	sld [smem:$0x3FA8]  }
0x31: {  	[smem:$0x3FB1] =	sst s10  }
0x32: {  	s10 =	sld [smem:$0x3FAF];
	_ =	sdelay $0x3  }
0x33: {  	p0 =	seq.s32 s10, $0x1;
	s10 =	sld [smem:$0x3FB1];
	_ =	sdelay $0x3  }
0x34: {  	[smem:$0x3FB1] =	sst s10  }
0x35: {  	s10 =	sld [smem:$0x3FB0];
	_ =	sdelay $0x3  }
0x36: {  	p1 =	seq.s32 s10, $0x1;
	s10 =	sld [smem:$0x3FB1];
	_ =	sdelay $0x3  }
0x37: {  	[smem:$0x3FB1] =	sst s10  }
0x38: {  	s10 =	sld [smem:$0x3FB2]  }
0x39: {  	_ = 	snop;
	(pc) =	sbr.ind lr, $3  }
0x3a: {  	_ = 	snop  }
0x3b: {  	_ = 	snop  }
0x3c: {  	p2 =	seq.s32 s10, $0x1;
	s10 =	sld [smem:$0x3FB1]  }
0x3d: {  	_ =	shalt  }
0x3e: {  	_ =	shalt  }
0x3f: {  	_ =	shalt  }
0x40: {  	_ =	shalt  }
0x41: {  	_ =	shalt  }
0x42: {  	_ =	shalt  }
0x43: {  	_ =	shalt  }
0x44: {  	_ =	shalt  }
0x45: {  	_ =	shalt  }
0x46: {  	_ =	shalt  }
0x47: {  	_ =	shalt  }
0x48: {  	_ =	shalt  }
0x49: {  	_ =	shalt  }
0x4a: {  	_ =	shalt  }
0x4b: {  	_ =	shalt  }
0x4c: {  	_ =	shalt  }
0x4d: {  	_ =	shalt  }
0x4e: {  	_ =	shalt  }
0x4f: {  	_ =	shalt  }
0x50: {  	_ =	shalt  }
0x51: {  	_ =	shalt  }
0x52: {  	_ =	shalt  }
0x53: {  	_ =	shalt  }
0x54: {  	_ =	shalt  }
0x55: {  	_ =	shalt  }
0x56: {  	_ =	shalt  }
0x57: {  	_ =	shalt  }
0x58: {  	_ =	shalt  }
0x59: {  	_ =	shalt  }
0x5a: {  	_ =	shalt  }
0x5b: {  	_ =	shalt  }
0x5c: {  	_ =	shalt  }
0x5d: {  	_ =	shalt  }
0x5e: {  	_ =	shalt  }
0x5f: {  	_ =	shalt  }
0x60: {  	_ =	shalt  }
0x61: {  	_ =	shalt  }
0x62: {  	_ =	shalt  }
0x63: {  	_ =	shalt  }
0x64: {  	_ =	shalt  }
0x65: {  	_ =	shalt  }
0x66: {  	_ =	shalt  }
0x67: {  	_ =	shalt  }
0x68: {  	_ =	shalt  }
0x69: {  	_ =	shalt  }
0x6a: {  	_ =	shalt  }
0x6b: {  	_ =	shalt  }
0x6c: {  	_ =	shalt  }
0x6d: {  	_ =	shalt  }
0x6e: {  	_ =	shalt  }
0x6f: {  	_ =	shalt  }
0x70: {  	_ =	shalt  }
0x71: {  	_ =	shalt  }
0x72: {  	_ =	shalt  }
0x73: {  	_ =	shalt  }
0x74: {  	_ =	shalt  }
0x75: {  	_ =	shalt  }
0x76: {  	_ =	shalt  }
0x77: {  	_ =	shalt  }
0x78: {  	_ =	shalt  }
0x79: {  	_ =	shalt  }
0x7a: {  	_ =	shalt  }
0x7b: {  	_ =	shalt  }
0x7c: {  	_ =	shalt  }
0x7d: {  	_ =	shalt  }
0x7e: {  	_ =	shalt  }
0x7f: {  	_ =	shalt  }
0x80: {  	_ =	shalt  }
0x81: {  	_ =	shalt  }
0x82: {  	_ =	shalt  }
0x83: {  	_ =	shalt  }
0x84: {  	_ =	shalt  }
0x85: {  	_ =	shalt  }
0x86: {  	_ =	shalt  }
0x87: {  	_ =	shalt  }
.Lfunc_end0:
.L_simem_size_0:
called_computation.3_lowered:
.L_overlay_start_0:
0x88: {  	s2 =	sld [smem:$0x3FD9]  }
0x89: {  	s3 =	sld [smem:$0x3FFE];
	_ =	sdelay $0x1  }
0x8a: {  	s1 =	srdreg.scid  }
0x8b: {  	s0 =	sand.u32 $0x1, s1  }
0x8c: {  	s17 =	sshll.u32 s0, $0xA;
	s2 =	sadd.s32 s3, s2  }
0x8d: {  	s2 =	sadd.s32 s2, s17  }
0x8e: {  	[smem:$0x3FBD] =	sst s2  }
0x8f: {  	_ = 	snop  }
0x90: {  	s2 =	sld [smem:$0x3FD0];
	(tm) =	ssettm $0x1  }
0x91: {  	s18 =	sld [smem:$0x3FFB];
	_ =	sdelay $0x3  }
0x92: {  	_ =	strace s18  }
0x93: {  	s3 =	sld [smem:$0x3FFC];
	_ =	sdelay $0x3  }
0x94: {  	_ =	strace s3  }
0x95: {  	s3 =	sld [smem:$0x3FFD];
	_ =	sdelay $0x3  }
0x96: {  	_ =	strace s3  }
0x97: {  	_ =	strace $0x8FFFFFFF  }
0x98: {  	s19 =	sld [smem:$0x3FDB];
	_ =	sdelay $0x1  }
0x99: {  	s4 =	simm.s32 $_scs_section_size  }
0x9a: {  	s5 =	simm.s32 $_size__tile_overlayer_lowered;
	s6 =	simm.s32 $_tile_overlayer_lowered  }
0x9b: {  	s22 =	simm.s32 $0x1BFF;
	s21 =	sshll.u32 s6, $0x1;
	s3 =	sadd.s32 s4, s19  }
0x9c: {  	s7 =	simm.s32 $0x0;
	s20 =	sshll.u32 s5, $0x1;
	s5 =	sadd.s32 s21, s3  }
0x9d: {  	[timem:s7], [sflag:s22] =	dma.local [hbm:s5], s20  }
0x9e: {  	_ =	swait.ge [sflag:s22], s20  }
0x9f: {  	s4 =	ssub.s32 $0x0, s20;
	[sflag:s22] =	ssyncset.done $0x0  }
0xa0: {  	[sflag:s22] =	ssyncadd.s32 s4;
	_ =	sdelay $0x1  }
0xa1: {  	s23 =	simm.s32 $0x1B8B  }
0xa2: {  	_ =	swait.ge [sflag:s23], $0x1  }
0xa3: {  	[sflag:s23] =	ssyncset.done $0x0  }
0xa4: {  	s25 =	simm.s32 $0x1B8E;
	s24 =	sld [smem:$0x3FFE];
	[sflag:s23] =	ssyncadd.s32 $0xFFFFFFFF  }
0xa5: {  	s26 =	simm.s32 $execute0_lowered;
	[smem:$0x3FD2] =	sst s25  }
0xa6: {  	s5 =	sshll.u32 s26, $0x1;
	_ =	strace $0x8000004F;
	[dreg:$0x1] =	wrdreg $0xFFFFFFFF  }
0xa7: {  	s28 =	simm.s32 $_size_execute0_lowered;
	s3 =	sadd.s32 s3, s5;
	[dreg:$0x0] =	wrdreg $0x0  }
0xa8: {  	s5 =	sshll.u32 s28, $0x1;
	[dreg:$0x2] =	wrdreg s3  }
0xa9: {  	[dreg:$0x3] =	wrdreg s5  }
0xaa: {  	[dreg:$0x4] =	wrdreg $0xC0  }
0xab: {  	_ =	task [dreg:s7], $0x5FFFF  }
0xac: {  	[dreg:$0x1] =	wrdreg $0xFFFFFFFF  }
0xad: {  	[dreg:$0x0] =	wrdreg $0x60  }
0xae: {  	[dreg:$0x2] =	wrdreg s24  }
0xaf: {  	[dreg:$0x3] =	wrdreg s2  }
0xb0: {  	[dreg:$0x4] =	wrdreg $0x90000  }
0xb1: {  	[dreg:$0x5] =	wrdreg $0x9  }
0xb2: {  	_ =	task.clear_ibuf [dreg:s7], $0x6FFFF;
	_ =	strace $0x9000004F  }
0xb3: {  	s29 =	simm.s32 $0x9;
	_ =	strace $0x80000051  }
0xb4: {  	_ =	swait.ge [sflag:s29], $0x1  }
0xb5: {  	[sflag:s29] =	ssyncadd.s32 $0xFFFFFFFF  }
0xb6: {  	_ =	strace $0x90000051  }
0xb7: {  	_ =	sfence  }
0xb8: {  	s30 =	sld [smem:$0x0];
	_ =	sdelay $0x2  }
0xb9: {  	s31 =	sshll.u32 s1, $0xD;
	s1 =	sshrl.u32 s1, $0x2  }
0xba: {  	s3 =	sand.u32 $0x4000, s31;
	s1 =	sadd.s32 s1, s30  }
0xbb: {  	s0 =	sor.u32 s3, s0;
	s1 =	sshll.u32 s1, $0x11  }
0xbc: {  	s0 =	sor.u32 s1, s0  }
0xbd: {  	s0 =	sadd.s32 $0x8F2B, s0  }
0xbe: {  	[sflag:s0] =	ssyncadd.remote.s32 $0x1  }
0xbf: {  	_ =	sfence.sel $0xFFFF  }
0xc0: {  	[dreg:$0x0] =	wrdreg $0xFFFFFFFF;
	(pc) =	sbr.abs _section_cstart, $3  }
0xc1: {  	[dreg:$0x1] =	wrdreg $0xFFFFFFFF  }
0xc2: {  	_ =	task.clear_ibuf [dreg:s7], $0x2FFFF;
	_ =	strace $0x9FFFFFFF  }
0xc3: {  	(tm) =	ssettm $0x7FFFFFFF  }
tec
execute0_lowered:
.L_overlay_start_1:
0x0: {  	(tag) =	ssettag $0x1  }
0x1: {  	s6 =	rddreg [dreg:$0x0]  }
0x2: {  	s0 =	srdreg.scid;
	s7 =	rddreg [dreg:$0x1]  }
0x3: {  	s2 =	rddreg [dreg:$0x2];
	s5 =	sand.u32 $0x1, s0  }
0x4: {  	s0 =	stileid.u32;
	s4 =	smul.u32 $0x28000, s5  }
0x5: {  	s1 =	rddreg [dreg:$0x3];
	s3 =	simm.s32 $0x0;
	s8 =	smul.u32 $0x2800, s0  }
0x6: {  	s14 =	simm.s32 $0x80;
	s15 =	simm.s32 $0x5000;
	s9 =	smul.u32 $0x140000, s5  }
0x7: {  	s16 =	simm.s32 $0x0;
	[smem:$0x7FF] =	sst s3;
	s26 =	smul.u32 $0x14000, s0  }
0x8: {  	_ =	strace $0x80000050;
	s28 =	ssub.s32 $0x2, s5;
	s12 =	smul.u32 $0x50000, s0  }
0x9: {  	s5 =	sadd.s32 $0xE200, s6;
	s31 =	sshll.u32 s0, $0x6;
	s29 =	sshrl.u32 s28, $0x1  }
0xa: {  	s4 =	sadd.s32 s8, s4;
	s8 =	sadd.s32 s26, s9;
	s9 =	ssub.s32 s28, s29  }
0xb: {  	s30 =	sshrl.u32 s12, $0x2;
	s12 =	sor.u32 $0x1C01, s31;
	s10 =	sshrl.u32 s4, $0x3  }
0xc: {  	s4 =	sadd.s32 $0x10A00, s6;
	s8 =	sshrl.u32 s8, $0x3;
	s13 =	sadd.s32 s30, s2  }
0xd: {  	s9 =	smax.u32 s9, $0x1;
	s11 =	sadd.s32 s10, s6;
	s8 =	sadd.s32 s8, s6  }
0xe: {  	s6 =	sadd.s32 s7, s10;
	s10 =	simm.s32 $0x1;
	s13 =	sshrl.u32 s13, $0x3  }
0xf: {  	s7 =	sadd.s32 $0x4200, s11;
	s8 =	sadd.s32 $0x60A00, s8;
	s11 =	simm.s32 $0x2800  }
.LBB2_1:
0x10: {  	[tilespmem:s3], [sflag:$0x1] =	stream.linear.gather [hbm4b:s6+s3], $0x2780, $0x38;
	[tilespmem:$0x1D000] =	vst v63  }
0x11: {  	_ =	swait.ge [sflag:s10], $0x2780  }
0x12: {  	[sflag:s10] =	ssyncset.done $0x0  }
0x13: {  	[sflag:s10] =	ssyncadd.s32 $0xFFFFD880  }
0x14: {  	[tilespmem:s11], [sflag:$0x1] =	stream.linear.gather [hbm4b:s7+s3], $0x2780, $0x38;
	[tilespmem:$0x1D000] =	vst v63  }
0x15: {  	_ =	swait.ge [sflag:s10], $0x2780  }
0x16: {  	[sflag:s10] =	ssyncset.done $0x0  }
0x17: {  	[sflag:s10] =	ssyncadd.s32 $0xFFFFD880  }
0x18: {  	[spmem:s13], [sflag:s12] =	dma.local [hbm:s5], $0x2800  }
0x19: {  	_ =	swait.ge [sflag:s10], $0x2800  }
0x1a: {  	[sflag:s10] =	ssyncset.done $0x0  }
0x1b: {  	[sflag:s10] =	ssyncadd.s32 $0xFFFFD800  }
0x1c: {  	s17 =	simm.s32 $0x0;
	[bflag:$0x0] =	sbarrier.arrive $0xFFFF  }
0x1d: {  	[tilespmem:s15], [sflag:$0x1] =	stream.indirect.gather [hbm4b:s4+s14], $0x80, s17, s14, $0xb8;
	[tilespmem:$0x1D000] =	vst v63  }
0x1e: {  	_ =	swait.ge [sflag:s10], $0x4000  }
0x1f: {  	[sflag:s10] =	ssyncset.done $0x0  }
0x20: {  	s31 =	simm.s32 $0x2800;
	[sflag:s10] =	ssyncadd.s32 $0xFFFFC000  }
0x21: {  	[spmem:s2] =	stream.indirect.scatter.add.f32 [tilespmem:s15], [sflag:$0x1], $0x80, s31, s14, $0xb8;
	[tilespmem:$0x1D000] =	vst v63  }
0x22: {  	_ =	swait.ge [sflag:s10], $0x4000  }
0x23: {  	s18 =	simm.s32 $0x400;
	s17 =	simm.s32 $0x200;
	[sflag:s10] =	ssyncset.done $0x0  }
.LBB2_2:
0x24: {  	s19 =	sshra.s32 s17, $0x2  }
0x25: {  	[sflag:s10] =	ssyncadd.s32 $0xFFFFC000;
	s17 =	smov.u32 s18;
	s20 =	sadd.s32 $0x200, s18  }
0x26: {  	[tilespmem:s15], [sflag:$0x1] =	stream.indirect.gather [hbm4b:s4+s14], $0x80, s19, s14, $0xb8;
	[tilespmem:$0x1D000] =	vst v63  }
0x27: {  	p0 =	sne.s32 s18, $0x9C00;
	_ =	swait.ge [sflag:s10], $0x4000  }
.Ltmp0:
0x28: {  	[sflag:s10] =	ssyncset.done $0x0;
	(pc) =	sbr.rel @p0 .LBB2_2-.Ltmp0, $4  }
0x29: {  	s18 =	sadd.s32 $0x2800, s19;
	[sflag:s10] =	ssyncadd.s32 $0xFFFFC000  }
0x2a: {  	[spmem:s2] =	stream.indirect.scatter.add.f32 [tilespmem:s15], [sflag:$0x1], $0x80, s18, s14, $0xb8;
	[tilespmem:$0x1D000] =	vst v63  }
0x2b: {  	_ =	swait.ge [sflag:s10], $0x4000  }
0x2c: {  	s18 =	smov.u32 s20;
	[sflag:s10] =	ssyncset.done $0x0  }
0x2d: {  	s17 =	sshra.s32 s17, $0x2;
	[sflag:s10] =	ssyncadd.s32 $0xFFFFC000  }
0x2e: {  	[tilespmem:s15], [sflag:$0x1] =	stream.indirect.gather [hbm4b:s4+s14], $0x80, s17, s14, $0xb8;
	[tilespmem:$0x1D000] =	vst v63  }
0x2f: {  	_ =	swait.ge [sflag:s10], $0x4000  }
0x30: {  	[sflag:s10] =	ssyncset.done $0x0  }
0x31: {  	s17 =	sadd.s32 $0x2800, s17;
	[sflag:s10] =	ssyncadd.s32 $0xFFFFC000  }
0x32: {  	[spmem:s2] =	stream.indirect.scatter.add.f32 [tilespmem:s15], [sflag:$0x1], $0x80, s17, s14, $0xb8;
	[tilespmem:$0x1D000] =	vst v63  }
0x33: {  	_ =	swait.ge [sflag:s10], $0x4000  }
0x34: {  	s16 =	sadd.s32 $0x1, s16;
	[sflag:s10] =	ssyncset.done $0x0  }
0x35: {  	p0 =	sne.s32 s16, s9;
	[sflag:s10] =	ssyncadd.s32 $0xFFFFC000  }
.Ltmp1:
0x36: {  	[bflag:$0x0] =	sbarrier.arrive $0xFFFF;
	(pc) =	sbr.rel @p0 .LBB2_1-.Ltmp1, $4  }
0x37: {  	[hbm:s8], [sflag:s12] =	dma.local [spmem:s13], $0x2800  }
0x38: {  	_ =	swait.ge [sflag:s10], $0x2800  }
0x39: {  	[sflag:s10] =	ssyncset.done $0x0  }
0x3a: {  	[sflag:s10] =	ssyncadd.s32 $0xFFFFD800  }
0x3b: {  	_ =	sfence.sel $0x180000  }
0x3c: {  	[bflag:$0x0] =	sbarrier.arrive $0xFFFF  }
0x3d: {  	p0 =	sne.s32 s0, $0x0;
	_ =	strace $0x90000050  }
0x3e: {  	s0 =	sadd.s32 @!p0 $0x100000, s1;
	[bflag:$0x2] =	sbarrier.arrive $0xFFFF  }
0x3f: {  	[sflag:s0] =	ssyncadd.tile.s32 @!p0 $0x1;
	_ =	shalt  }
.Lfunc_end2:
_tile_overlayer_lowered:
.L_overlay_start_2:
0x40: {  	(tag) =	ssettag $0x2  }
0x41: {  	s0 =	rddreg [dreg:$0x0];
	s2 =	stileid.u32  }
0x42: {  	s1 =	rddreg [dreg:$0x1];
	p0 =	sne.s32 s2, $0x0  }
0x43: {  	s3 =	rddreg [dreg:$0x2];
	[bflag:$0x3] =	sbarrier.arrive $0xFFFF;
	s2 =	simm.s32 @!p0 $0x1C01  }
0x44: {  	[timem:s3], [sflag:s2] =	dma.local @!p0 [hbm:s0], s1  }
0x45: {  	s0 =	simm.s32 @!p0 $0x1  }
0x46: {  	_ =	swait.ge @!p0 [sflag:s0], s1  }
0x47: {  	s1 =	ssub.s32 @!p0 $0x0, s1;
	[sflag:s0] =	ssyncset.done @!p0 $0x0  }
0x48: {  	[sflag:s0] =	ssyncadd.s32 @!p0 s1  }
0x49: {  	[bflag:$0x3] =	sbarrier.arrive $0xFFFF  }
0x4a: {  	_ =	shalt  }

// kernel: kernel.9.cloned.1.call-start
scs
__scs_entry_jumppad:
0x0: {  	(pc) =	sbr.rel $0x88, $3  }
0x1: {  	(tag) =	ssettag $0x0;
	lr =	simm.s32 $0x1  }
0x2: {  	[smem:$0x3F96] =	sst lr;
	_ =	strace $0xD0000000  }
0x3: {  	_ = 	snop  }
0x4: {  	_ = 	snop  }
0x5: {  	_ = 	snop  }
0x6: {  	_ = 	snop  }
0x7: {  	_ = 	snop  }
__scs_overlays_trampoline_lowered:
0x8: {  	[smem:$0x3FA5] =	sst s0  }
0x9: {  	[smem:$0x3FA6] =	sst s1  }
0xa: {  	[smem:$0x3FA7] =	sst s2  }
0xb: {  	[smem:$0x3FA8] =	sst s3  }
0xc: {  	[smem:$0x3FA9] =	sst s4  }
0xd: {  	[smem:$0x3FAA] =	sst s5  }
0xe: {  	[smem:$0x3FAB] =	sst s6  }
0xf: {  	[smem:$0x3FAC] =	sst s7  }
0x10: {  	[smem:$0x3FAD] =	sst s8  }
0x11: {  	[smem:$0x3FAE] =	sst s9;
	s0 =	simm.s32 @!p0 $0x0  }
0x12: {  	s1 =	sld [smem:$0x3F94];
	s0 =	simm.s32 @p0 $0x1  }
0x13: {  	[smem:$0x3FAF] =	sst s0;
	s0 =	simm.s32 @!p1 $0x0  }
0x14: {  	s2 =	sld [smem:$0x3F93];
	s0 =	simm.s32 @p1 $0x1  }
0x15: {  	[smem:$0x3FB0] =	sst s0;
	s0 =	simm.s32 @!p2 $0x0  }
0x16: {  	s3 =	sld [smem:$0x3FDB];
	s0 =	simm.s32 @p2 $0x1  }
0x17: {  	s4 =	simm.s32 $0x1BF5;
	[smem:$0x3FB2] =	sst s0  }
0x18: {  	s0 =	sld [smem:$0x3F95];
	_ =	swait.ge [sflag:s4], $0x0  }
0x19: {  	s7 =	sld [smem:$0x3F96]  }
0x1a: {  	s8 =	sadd.s32 $0xFFFFE003, lr  }
0x1b: {  	s9 =	sadd.s32 $0xFFFFFEF7, lr;
	s5 =	simm.s32 $0xFFFFFFFF;
	p2 =	slt.u32 s8, $0xFFFFF086  }
0x1c: {  	p1 =	slt.u32 s9, $0xF7A;
	s5 =	simm.s32 @!p2 $0x0  }
0x1d: {  	s5 =	simm.s32 @p1 $0x1;
	p0 =	seq.s32 s7, s2  }
0x1e: {  	s7 =	smul.u32 @!p0 $0xF7A, s2;
	p2 =	seq.s32 @!p0 s5, $0x0  }
0x1f: {  	s9 =	smul.u32 $0xF7A, s1;
	s8 =	simm.s32 @!p0 $0x1BF5;
	p2 =	por !p2, p0  }
0x20: {  	[sflag:s8] =	ssyncset.s32 @!p0 $0xFFFFF086;
	s6 =	sadd.s32 @!p0 s3, s7;
	s7 =	simm.s32 @!p0 $0x108  }
0x21: {  	s3 =	sadd.s32 s3, s9;
	s6 =	sadd.s32 @!p0 $0x88, s6;
	s7 =	simm.s32 @p2 $0x1082  }
0x22: {  	[simem:s7], [sflag:s8] =	dma.local @!p0 [hbm:s6], $0xF7A  }
0x23: {  	s9 =	sor.u32 $0xD0000000, s2;
	s6 =	simm.s32 $0x108;
	_ =	swait.ge @!p0 [sflag:s8], $0x0  }
0x24: {  	s3 =	sadd.s32 $0x88, s3;
	s6 =	simm.s32 @!p1 $0x1082;
	[sflag:s4] =	ssyncset.s32 $0xFFFFF086  }
0x25: {  	[simem:s6], [sflag:s4] =	dma.local [hbm:s3], $0xF7A  }
0x26: {  	[smem:$0x3F96] =	sst s1;
	(tag) =	ssettag s2;
	_ =	strace s9  }
0x27: {  	s1 =	sld [smem:$0x3FA6]  }
0x28: {  	s2 =	sld [smem:$0x3FA7]  }
0x29: {  	s4 =	sld [smem:$0x3FA9]  }
0x2a: {  	p0 =	seq.s32 s5, $0x0;
	s5 =	sld [smem:$0x3FAA]  }
0x2b: {  	s6 =	sld [smem:$0x3FAB]  }
0x2c: {  	s7 =	sld [smem:$0x3FAC]  }
0x2d: {  	s3 =	simm.s32 $0x108;
	s8 =	sld [smem:$0x3FAD]  }
0x2e: {  	s3 =	simm.s32 @!p0 $0x1082;
	s9 =	sld [smem:$0x3FAE]  }
0x2f: {  	lr =	sadd.s32 s0, s3;
	s0 =	sld [smem:$0x3FA5]  }
0x30: {  	s3 =	sld [smem:$0x3FA8]  }
0x31: {  	[smem:$0x3FB1] =	sst s10  }
0x32: {  	s10 =	sld [smem:$0x3FAF];
	_ =	sdelay $0x3  }
0x33: {  	p0 =	seq.s32 s10, $0x1;
	s10 =	sld [smem:$0x3FB1];
	_ =	sdelay $0x3  }
0x34: {  	[smem:$0x3FB1] =	sst s10  }
0x35: {  	s10 =	sld [smem:$0x3FB0];
	_ =	sdelay $0x3  }
0x36: {  	p1 =	seq.s32 s10, $0x1;
	s10 =	sld [smem:$0x3FB1];
	_ =	sdelay $0x3  }
0x37: {  	[smem:$0x3FB1] =	sst s10  }
0x38: {  	s10 =	sld [smem:$0x3FB2]  }
0x39: {  	_ = 	snop;
	(pc) =	sbr.ind lr, $3  }
0x3a: {  	_ = 	snop  }
0x3b: {  	_ = 	snop  }
0x3c: {  	p2 =	seq.s32 s10, $0x1;
	s10 =	sld [smem:$0x3FB1]  }
0x3d: {  	_ =	shalt  }
0x3e: {  	_ =	shalt  }
0x3f: {  	_ =	shalt  }
0x40: {  	_ =	shalt  }
0x41: {  	_ =	shalt  }
0x42: {  	_ =	shalt  }
0x43: {  	_ =	shalt  }
0x44: {  	_ =	shalt  }
0x45: {  	_ =	shalt  }
0x46: {  	_ =	shalt  }
0x47: {  	_ =	shalt  }
0x48: {  	_ =	shalt  }
0x49: {  	_ =	shalt  }
0x4a: {  	_ =	shalt  }
0x4b: {  	_ =	shalt  }
0x4c: {  	_ =	shalt  }
0x4d: {  	_ =	shalt  }
0x4e: {  	_ =	shalt  }
0x4f: {  	_ =	shalt  }
0x50: {  	_ =	shalt  }
0x51: {  	_ =	shalt  }
0x52: {  	_ =	shalt  }
0x53: {  	_ =	shalt  }
0x54: {  	_ =	shalt  }
0x55: {  	_ =	shalt  }
0x56: {  	_ =	shalt  }
0x57: {  	_ =	shalt  }
0x58: {  	_ =	shalt  }
0x59: {  	_ =	shalt  }
0x5a: {  	_ =	shalt  }
0x5b: {  	_ =	shalt  }
0x5c: {  	_ =	shalt  }
0x5d: {  	_ =	shalt  }
0x5e: {  	_ =	shalt  }
0x5f: {  	_ =	shalt  }
0x60: {  	_ =	shalt  }
0x61: {  	_ =	shalt  }
0x62: {  	_ =	shalt  }
0x63: {  	_ =	shalt  }
0x64: {  	_ =	shalt  }
0x65: {  	_ =	shalt  }
0x66: {  	_ =	shalt  }
0x67: {  	_ =	shalt  }
0x68: {  	_ =	shalt  }
0x69: {  	_ =	shalt  }
0x6a: {  	_ =	shalt  }
0x6b: {  	_ =	shalt  }
0x6c: {  	_ =	shalt  }
0x6d: {  	_ =	shalt  }
0x6e: {  	_ =	shalt  }
0x6f: {  	_ =	shalt  }
0x70: {  	_ =	shalt  }
0x71: {  	_ =	shalt  }
0x72: {  	_ =	shalt  }
0x73: {  	_ =	shalt  }
0x74: {  	_ =	shalt  }
0x75: {  	_ =	shalt  }
0x76: {  	_ =	shalt  }
0x77: {  	_ =	shalt  }
0x78: {  	_ =	shalt  }
0x79: {  	_ =	shalt  }
0x7a: {  	_ =	shalt  }
0x7b: {  	_ =	shalt  }
0x7c: {  	_ =	shalt  }
0x7d: {  	_ =	shalt  }
0x7e: {  	_ =	shalt  }
0x7f: {  	_ =	shalt  }
0x80: {  	_ =	shalt  }
0x81: {  	_ =	shalt  }
0x82: {  	_ =	shalt  }
0x83: {  	_ =	shalt  }
0x84: {  	_ =	shalt  }
0x85: {  	_ =	shalt  }
0x86: {  	_ =	shalt  }
0x87: {  	_ =	shalt  }
.Lfunc_end0:
.L_simem_size_0:
called_computation_lowered:
.L_overlay_start_0:
0x88: {  	s2 =	sld [smem:$0x3FD9]  }
0x89: {  	s3 =	sld [smem:$0x3FFE];
	_ =	sdelay $0x1  }
0x8a: {  	s1 =	srdreg.scid  }
0x8b: {  	s0 =	sand.u32 $0x1, s1  }
0x8c: {  	s17 =	sshll.u32 s0, $0xA;
	s2 =	sadd.s32 s3, s2  }
0x8d: {  	s2 =	sadd.s32 s2, s17  }
0x8e: {  	[smem:$0x3FBD] =	sst s2  }
0x8f: {  	_ = 	snop  }
0x90: {  	s2 =	sld [smem:$0x3FD0];
	(tm) =	ssettm $0x1  }
0x91: {  	s18 =	sld [smem:$0x3FFB];
	_ =	sdelay $0x3  }
0x92: {  	_ =	strace s18  }
0x93: {  	s3 =	sld [smem:$0x3FFC];
	_ =	sdelay $0x3  }
0x94: {  	_ =	strace s3  }
0x95: {  	s3 =	sld [smem:$0x3FFD];
	_ =	sdelay $0x3  }
0x96: {  	_ =	strace s3  }
0x97: {  	_ =	strace $0x8FFFFFFF  }
0x98: {  	s19 =	sld [smem:$0x3FDB];
	_ =	sdelay $0x1  }
0x99: {  	s4 =	simm.s32 $_scs_section_size  }
0x9a: {  	s5 =	simm.s32 $_size__tile_overlayer_lowered;
	s6 =	simm.s32 $_tile_overlayer_lowered  }
0x9b: {  	s22 =	simm.s32 $0x1BFF;
	s21 =	sshll.u32 s6, $0x1;
	s3 =	sadd.s32 s4, s19  }
0x9c: {  	s7 =	simm.s32 $0x0;
	s20 =	sshll.u32 s5, $0x1;
	s5 =	sadd.s32 s21, s3  }
0x9d: {  	[timem:s7], [sflag:s22] =	dma.local [hbm:s5], s20  }
0x9e: {  	_ =	swait.ge [sflag:s22], s20  }
0x9f: {  	s4 =	ssub.s32 $0x0, s20;
	[sflag:s22] =	ssyncset.done $0x0  }
0xa0: {  	[sflag:s22] =	ssyncadd.s32 s4;
	_ =	sdelay $0x1  }
0xa1: {  	s23 =	simm.s32 $0x1B8B  }
0xa2: {  	_ =	swait.ge [sflag:s23], $0x1  }
0xa3: {  	[sflag:s23] =	ssyncset.done $0x0  }
0xa4: {  	s25 =	simm.s32 $0x1B8E;
	s24 =	sld [smem:$0x3FFE];
	[sflag:s23] =	ssyncadd.s32 $0xFFFFFFFF  }
0xa5: {  	s26 =	simm.s32 $execute0_lowered;
	[smem:$0x3FD2] =	sst s25  }
0xa6: {  	s5 =	sshll.u32 s26, $0x1;
	_ =	strace $0x80000046;
	[dreg:$0x1] =	wrdreg $0xFFFFFFFF  }
0xa7: {  	s28 =	simm.s32 $_size_execute0_lowered;
	s3 =	sadd.s32 s3, s5;
	[dreg:$0x0] =	wrdreg $0x0  }
0xa8: {  	s5 =	sshll.u32 s28, $0x1;
	[dreg:$0x2] =	wrdreg s3  }
0xa9: {  	[dreg:$0x3] =	wrdreg s5  }
0xaa: {  	[dreg:$0x4] =	wrdreg $0xC0  }
0xab: {  	_ =	task [dreg:s7], $0x5FFFF  }
0xac: {  	[dreg:$0x1] =	wrdreg $0xFFFFFFFF  }
0xad: {  	[dreg:$0x0] =	wrdreg $0x60  }
0xae: {  	[dreg:$0x2] =	wrdreg s24  }
0xaf: {  	[dreg:$0x3] =	wrdreg s2  }
0xb0: {  	[dreg:$0x4] =	wrdreg $0x90000  }
0xb1: {  	[dreg:$0x5] =	wrdreg $0x9  }
0xb2: {  	_ =	task.clear_ibuf [dreg:s7], $0x6FFFF;
	_ =	strace $0x90000046  }
0xb3: {  	s29 =	simm.s32 $0x9;
	_ =	strace $0x80000048  }
0xb4: {  	_ =	swait.ge [sflag:s29], $0x1  }
0xb5: {  	[sflag:s29] =	ssyncadd.s32 $0xFFFFFFFF  }
0xb6: {  	_ =	strace $0x90000048  }
0xb7: {  	_ =	sfence  }
0xb8: {  	s30 =	sld [smem:$0x0];
	_ =	sdelay $0x2  }
0xb9: {  	s31 =	sshll.u32 s1, $0xD;
	s1 =	sshrl.u32 s1, $0x2  }
0xba: {  	s3 =	sand.u32 $0x4000, s31;
	s1 =	sadd.s32 s1, s30  }
0xbb: {  	s0 =	sor.u32 s3, s0;
	s1 =	sshll.u32 s1, $0x11  }
0xbc: {  	s0 =	sor.u32 s1, s0  }
0xbd: {  	s0 =	sadd.s32 $0x8F2B, s0  }
0xbe: {  	[sflag:s0] =	ssyncadd.remote.s32 $0x1  }
0xbf: {  	_ =	sfence.sel $0xFFFF  }
0xc0: {  	[dreg:$0x0] =	wrdreg $0xFFFFFFFF;
	(pc) =	sbr.abs _section_cstart, $3  }
0xc1: {  	[dreg:$0x1] =	wrdreg $0xFFFFFFFF  }
0xc2: {  	_ =	task.clear_ibuf [dreg:s7], $0x2FFFF;
	_ =	strace $0x9FFFFFFF  }
0xc3: {  	(tm) =	ssettm $0x7FFFFFFF  }
tec
execute0_lowered:
.L_overlay_start_1:
0x0: {  	(tag) =	ssettag $0x1  }
0x1: {  	s6 =	rddreg [dreg:$0x0]  }
0x2: {  	s0 =	srdreg.scid;
	s7 =	rddreg [dreg:$0x1]  }
0x3: {  	s2 =	rddreg [dreg:$0x2];
	s5 =	sand.u32 $0x1, s0  }
0x4: {  	s0 =	stileid.u32;
	s4 =	smul.u32 $0x28000, s5  }
0x5: {  	s1 =	rddreg [dreg:$0x3];
	s3 =	simm.s32 $0x0;
	s8 =	smul.u32 $0x2800, s0  }
0x6: {  	s14 =	simm.s32 $0x80;
	s15 =	simm.s32 $0x5000;
	s9 =	smul.u32 $0x140000, s5  }
0x7: {  	s16 =	simm.s32 $0x0;
	[smem:$0x7FF] =	sst s3;
	s26 =	smul.u32 $0x14000, s0  }
0x8: {  	_ =	strace $0x80000047;
	s28 =	ssub.s32 $0x2, s5;
	s12 =	smul.u32 $0x50000, s0  }
0x9: {  	s5 =	sadd.s32 $0xE200, s6;
	s31 =	sshll.u32 s0, $0x6;
	s29 =	sshrl.u32 s28, $0x1  }
0xa: {  	s4 =	sadd.s32 s8, s4;
	s8 =	sadd.s32 s26, s9;
	s9 =	ssub.s32 s28, s29  }
0xb: {  	s30 =	sshrl.u32 s12, $0x2;
	s12 =	sor.u32 $0x1C01, s31;
	s10 =	sshrl.u32 s4, $0x3  }
0xc: {  	s4 =	sadd.s32 $0x10A00, s6;
	s8 =	sshrl.u32 s8, $0x3;
	s13 =	sadd.s32 s30, s2  }
0xd: {  	s9 =	smax.u32 s9, $0x1;
	s11 =	sadd.s32 s10, s6;
	s8 =	sadd.s32 s8, s6  }
0xe: {  	s6 =	sadd.s32 s7, s10;
	s10 =	simm.s32 $0x1;
	s13 =	sshrl.u32 s13, $0x3  }
0xf: {  	s7 =	sadd.s32 $0x4200, s11;
	s8 =	sadd.s32 $0x38A00, s8;
	s11 =	simm.s32 $0x2800  }
.LBB2_1:
0x10: {  	[tilespmem:s3], [sflag:$0x1] =	stream.linear.gather [hbm4b:s6+s3], $0x2780, $0x38;
	[tilespmem:$0x1D000] =	vst v63  }
0x11: {  	_ =	swait.ge [sflag:s10], $0x2780  }
0x12: {  	[sflag:s10] =	ssyncset.done $0x0  }
0x13: {  	[sflag:s10] =	ssyncadd.s32 $0xFFFFD880  }
0x14: {  	[tilespmem:s11], [sflag:$0x1] =	stream.linear.gather [hbm4b:s7+s3], $0x2780, $0x38;
	[tilespmem:$0x1D000] =	vst v63  }
0x15: {  	_ =	swait.ge [sflag:s10], $0x2780  }
0x16: {  	[sflag:s10] =	ssyncset.done $0x0  }
0x17: {  	[sflag:s10] =	ssyncadd.s32 $0xFFFFD880  }
0x18: {  	[spmem:s13], [sflag:s12] =	dma.local [hbm:s5], $0x2800  }
0x19: {  	_ =	swait.ge [sflag:s10], $0x2800  }
0x1a: {  	[sflag:s10] =	ssyncset.done $0x0  }
0x1b: {  	[sflag:s10] =	ssyncadd.s32 $0xFFFFD800  }
0x1c: {  	s17 =	simm.s32 $0x0;
	[bflag:$0x0] =	sbarrier.arrive $0xFFFF  }
0x1d: {  	[tilespmem:s15], [sflag:$0x1] =	stream.indirect.gather [hbm4b:s4+s14], $0x80, s17, s14, $0xb8;
	[tilespmem:$0x1D000] =	vst v63  }
0x1e: {  	_ =	swait.ge [sflag:s10], $0x4000  }
0x1f: {  	[sflag:s10] =	ssyncset.done $0x0  }
0x20: {  	s31 =	simm.s32 $0x2800;
	[sflag:s10] =	ssyncadd.s32 $0xFFFFC000  }
0x21: {  	[spmem:s2] =	stream.indirect.scatter.add.f32 [tilespmem:s15], [sflag:$0x1], $0x80, s31, s14, $0xb8;
	[tilespmem:$0x1D000] =	vst v63  }
0x22: {  	_ =	swait.ge [sflag:s10], $0x4000  }
0x23: {  	s18 =	simm.s32 $0x400;
	s17 =	simm.s32 $0x200;
	[sflag:s10] =	ssyncset.done $0x0  }
.LBB2_2:
0x24: {  	s19 =	sshra.s32 s17, $0x2  }
0x25: {  	[sflag:s10] =	ssyncadd.s32 $0xFFFFC000;
	s17 =	smov.u32 s18;
	s20 =	sadd.s32 $0x200, s18  }
0x26: {  	[tilespmem:s15], [sflag:$0x1] =	stream.indirect.gather [hbm4b:s4+s14], $0x80, s19, s14, $0xb8;
	[tilespmem:$0x1D000] =	vst v63  }
0x27: {  	p0 =	sne.s32 s18, $0x9C00;
	_ =	swait.ge [sflag:s10], $0x4000  }
.Ltmp0:
0x28: {  	[sflag:s10] =	ssyncset.done $0x0;
	(pc) =	sbr.rel @p0 .LBB2_2-.Ltmp0, $4  }
0x29: {  	s18 =	sadd.s32 $0x2800, s19;
	[sflag:s10] =	ssyncadd.s32 $0xFFFFC000  }
0x2a: {  	[spmem:s2] =	stream.indirect.scatter.add.f32 [tilespmem:s15], [sflag:$0x1], $0x80, s18, s14, $0xb8;
	[tilespmem:$0x1D000] =	vst v63  }
0x2b: {  	_ =	swait.ge [sflag:s10], $0x4000  }
0x2c: {  	s18 =	smov.u32 s20;
	[sflag:s10] =	ssyncset.done $0x0  }
0x2d: {  	s17 =	sshra.s32 s17, $0x2;
	[sflag:s10] =	ssyncadd.s32 $0xFFFFC000  }
0x2e: {  	[tilespmem:s15], [sflag:$0x1] =	stream.indirect.gather [hbm4b:s4+s14], $0x80, s17, s14, $0xb8;
	[tilespmem:$0x1D000] =	vst v63  }
0x2f: {  	_ =	swait.ge [sflag:s10], $0x4000  }
0x30: {  	[sflag:s10] =	ssyncset.done $0x0  }
0x31: {  	s17 =	sadd.s32 $0x2800, s17;
	[sflag:s10] =	ssyncadd.s32 $0xFFFFC000  }
0x32: {  	[spmem:s2] =	stream.indirect.scatter.add.f32 [tilespmem:s15], [sflag:$0x1], $0x80, s17, s14, $0xb8;
	[tilespmem:$0x1D000] =	vst v63  }
0x33: {  	_ =	swait.ge [sflag:s10], $0x4000  }
0x34: {  	s16 =	sadd.s32 $0x1, s16;
	[sflag:s10] =	ssyncset.done $0x0  }
0x35: {  	p0 =	sne.s32 s16, s9;
	[sflag:s10] =	ssyncadd.s32 $0xFFFFC000  }
.Ltmp1:
0x36: {  	[bflag:$0x0] =	sbarrier.arrive $0xFFFF;
	(pc) =	sbr.rel @p0 .LBB2_1-.Ltmp1, $4  }
0x37: {  	[hbm:s8], [sflag:s12] =	dma.local [spmem:s13], $0x2800  }
0x38: {  	_ =	swait.ge [sflag:s10], $0x2800  }
0x39: {  	[sflag:s10] =	ssyncset.done $0x0  }
0x3a: {  	[sflag:s10] =	ssyncadd.s32 $0xFFFFD800  }
0x3b: {  	_ =	sfence.sel $0x180000  }
0x3c: {  	[bflag:$0x0] =	sbarrier.arrive $0xFFFF  }
0x3d: {  	p0 =	sne.s32 s0, $0x0;
	_ =	strace $0x90000047  }
0x3e: {  	s0 =	sadd.s32 @!p0 $0x100000, s1;
	[bflag:$0x2] =	sbarrier.arrive $0xFFFF  }
0x3f: {  	[sflag:s0] =	ssyncadd.tile.s32 @!p0 $0x1;
	_ =	shalt  }
.Lfunc_end2:
_tile_overlayer_lowered:
.L_overlay_start_2:
0x40: {  	(tag) =	ssettag $0x2  }
0x41: {  	s0 =	rddreg [dreg:$0x0];
	s2 =	stileid.u32  }
0x42: {  	s1 =	rddreg [dreg:$0x1];
	p0 =	sne.s32 s2, $0x0  }
0x43: {  	s3 =	rddreg [dreg:$0x2];
	[bflag:$0x3] =	sbarrier.arrive $0xFFFF;
	s2 =	simm.s32 @!p0 $0x1C01  }
0x44: {  	[timem:s3], [sflag:s2] =	dma.local @!p0 [hbm:s0], s1  }
0x45: {  	s0 =	simm.s32 @!p0 $0x1  }
0x46: {  	_ =	swait.ge @!p0 [sflag:s0], s1  }
0x47: {  	s1 =	ssub.s32 @!p0 $0x0, s1;
	[sflag:s0] =	ssyncset.done @!p0 $0x0  }
0x48: {  	[sflag:s0] =	ssyncadd.s32 @!p0 s1  }
0x49: {  	[bflag:$0x3] =	sbarrier.arrive $0xFFFF  }
0x4a: {  	_ =	shalt  }

</sc_bundles>
